<compile_context>
chip_gen: v7x
topology: tpu7x:2x2x1
jax: 0.10.2.dev20260603
libtpu: 0.0.44.dev20260713+nightly
codegen_flags: <defaults>
</compile_context>

<pallas_src>
import jax
import jax.numpy as jnp
from jax import lax
from jax.experimental import pallas as pl
from jax.experimental.pallas import tpu as pltpu
from jax.experimental.pallas import tpu_sc as plsc

B = 16384
DIM = 64
NC = 2
NS = 16
NW = NC * NS
BPW = B // NW
CHUNK = 128
NCHUNK = BPW // CHUNK
NTASK = 2 * NCHUNK


def _score_chunk(s_v, r_v, t_v, o_v, out_v, out_base):
    lane = lax.iota(jnp.int32, 16)
    last = lane == 15

    def elem(i, carry):
        total = jnp.zeros((16,), jnp.float32)
        for q in range(DIM // 16):
            sl = pl.ds(q * 16, 16)
            total = total + jnp.abs(
                s_v[i, sl] + r_v[i, sl] + t_v[i, sl] - o_v[i, sl])
        csum = plsc.cumsum(total)
        idx = jnp.full((16,), out_base + i, jnp.int32)
        plsc.store_scatter(out_v, [idx], csum, mask=last)
        return carry

    lax.fori_loop(0, CHUNK, elem, 0)


def _body(pos_s, pos_r, pos_o, pos_t, neg_s, neg_r, neg_o, neg_t,
          e_w, r_w, t_w, pos_out, neg_out,
          ps_v, pr_v, po_v, pt_v, ns_v, nr_v, no_v,
          s_v0, r_v0, t_v0, o_v0, s_v1, r_v1, t_v1, o_v1,
          pos_ov, neg_ov, sem0, sem1):
    wid = lax.axis_index("s") * NC + lax.axis_index("c")
    base = wid * BPW

    for hbm, vmem in ((pos_s, ps_v), (pos_r, pr_v), (pos_o, po_v),
                      (pos_t, pt_v), (neg_s, ns_v), (neg_r, nr_v),
                      (neg_o, no_v)):
        pltpu.sync_copy(hbm.at[pl.ds(base, BPW)], vmem)

    bufs = ((s_v0, r_v0, t_v0, o_v0), (s_v1, r_v1, t_v1, o_v1))
    sems = (sem0, sem1)
    tasks = [(c, (ps_v, pr_v, pt_v, po_v), pos_ov) for c in range(NCHUNK)]
    tasks += [(c, (ns_v, nr_v, pt_v, no_v), neg_ov) for c in range(NCHUNK)]

    def fire(k):
        c, (si, ri, ti, oi), _ = tasks[k]
        sb, rb, tb, ob = bufs[k % 2]
        sem = sems[k % 2]
        cb = c * CHUNK
        return (pltpu.async_copy(e_w.at[si.at[pl.ds(cb, CHUNK)]], sb, sem),
                pltpu.async_copy(r_w.at[ri.at[pl.ds(cb, CHUNK)]], rb, sem),
                pltpu.async_copy(t_w.at[ti.at[pl.ds(cb, CHUNK)]], tb, sem),
                pltpu.async_copy(e_w.at[oi.at[pl.ds(cb, CHUNK)]], ob, sem))

    pending = fire(0)
    for k in range(NTASK):
        for cp in pending:
            cp.wait()
        if k + 1 < NTASK:
            nxt = fire(k + 1)
        c, _, out_v = tasks[k]
        sb, rb, tb, ob = bufs[k % 2]
        _score_chunk(sb, rb, tb, ob, out_v, c * CHUNK)
        if k + 1 < NTASK:
            pending = nxt

    pltpu.sync_copy(pos_ov, pos_out.at[pl.ds(base, BPW)])
    pltpu.sync_copy(neg_ov, neg_out.at[pl.ds(base, BPW)])


def kernel(pos_s, pos_r, pos_o, pos_t, neg_s, neg_r, neg_o, neg_t,
           e_weight, r_weight, t_weight):
    mesh = plsc.VectorSubcoreMesh(
        core_axis_name="c", subcore_axis_name="s",
        num_cores=NC, num_subcores=NS)
    f32 = jnp.float32
    run = pl.kernel(
        _body,
        out_type=(jax.ShapeDtypeStruct((B,), f32),
                  jax.ShapeDtypeStruct((B,), f32)),
        mesh=mesh,
        scratch_types=(
            [pltpu.VMEM((BPW,), jnp.int32)] * 7
            + [pltpu.VMEM((CHUNK, DIM), f32)] * 8
            + [pltpu.VMEM((BPW,), f32)] * 2
            + [pltpu.SemaphoreType.DMA] * 2
        ),
        compiler_params=pltpu.CompilerParams(
            needs_layout_passes=False, use_tc_tiling_on_sc=False),
    )
    return run(pos_s.astype(jnp.int32), pos_r.astype(jnp.int32),
               pos_o.astype(jnp.int32), pos_t.astype(jnp.int32),
               neg_s.astype(jnp.int32), neg_r.astype(jnp.int32),
               neg_o.astype(jnp.int32), neg_t.astype(jnp.int32),
               e_weight, r_weight, t_weight)

# --- scband reference (transcript-rebuilt; emitter-appended) ---
"""Pipeline reference for scband-ttrans-e-25125558681884 (READ-ONLY COPY).

The authoritative reference and input builder live on the scoring server;
editing this copy changes nothing except your own understanding.
"""

import jax, jax.numpy as jnp
import numpy as np

E_CNT = 1000000
R_CNT = 1000
T_CNT = 1000
DIM = 64
B = 16384


def _xavier(key, shape):
    fan_in, fan_out = shape[1], shape[0]
    limit = float(np.sqrt(6.0 / (fan_in + fan_out)))
    return jax.random.uniform(key, shape, dtype=jnp.float32, minval=-limit, maxval=limit)


def setup_inputs(seed: int = 0) -> dict:
    key = jax.random.key(seed)
    ks = jax.random.split(key, 11)
    inp = {
        'pos_s': jax.random.randint(ks[0], (B,), 0, E_CNT, dtype=jnp.int64 if jax.config.jax_enable_x64 else jnp.int32),
        'pos_r': jax.random.randint(ks[1], (B,), 0, R_CNT),
        'pos_o': jax.random.randint(ks[2], (B,), 0, E_CNT),
        'pos_t': jax.random.randint(ks[3], (B,), 0, T_CNT),
        'neg_s': jax.random.randint(ks[4], (B,), 0, E_CNT),
        'neg_r': jax.random.randint(ks[5], (B,), 0, R_CNT),
        'neg_o': jax.random.randint(ks[6], (B,), 0, E_CNT),
        'neg_t': jax.random.randint(ks[7], (B,), 0, T_CNT),
        'e_weight': _xavier(ks[8], (E_CNT, DIM)),
        'r_weight': _xavier(ks[9], (R_CNT, DIM)),
        't_weight': _xavier(ks[10], (T_CNT, DIM)),
    }
    return inp


def _score(s, o, r, t):
    # l1 = True -> p=1 norm over dim=1
    return jnp.sum(jnp.abs(s + r + t - o), axis=1)


def reference(pos_s, pos_r, pos_o, pos_t, neg_s, neg_r, neg_o, neg_t, e_weight, r_weight, t_weight):
    pos_s_e = jnp.take(e_weight, pos_s, axis=0)
    pos_o_e = jnp.take(e_weight, pos_o, axis=0)
    pos_r_e = jnp.take(r_weight, pos_r, axis=0)
    pos_t_e = jnp.take(t_weight, pos_t, axis=0)
    neg_s_e = jnp.take(e_weight, neg_s, axis=0)
    neg_o_e = jnp.take(e_weight, neg_o, axis=0)
    neg_r_e = jnp.take(r_weight, neg_r, axis=0)
    # faithful to original: neg_t_e uses pos_t (bug preserved)
    neg_t_e = jnp.take(t_weight, pos_t, axis=0)
    pos = _score(pos_s_e, pos_o_e, pos_r_e, pos_t_e)
    neg = _score(neg_s_e, neg_o_e, neg_r_e, neg_t_e)
    return (pos, neg)

if __name__ == "__main__":
    import jax
    _d = setup_inputs()
    print(jax.jit(kernel)(*tuple(_d.values())))

</pallas_src>

<mosaic_0001>
#map = affine_map<(d0, d1) -> (0)>
#map1 = affine_map<(d0, d1) -> (0, 0)>
module attributes {stable_mosaic.version = 14 : i64} {
  func.func @_body(%arg0: i32, %arg1: i32, %arg2: memref<16384xi32, #tpu.memory_space<hbm>>, %arg3: memref<16384xi32, #tpu.memory_space<hbm>>, %arg4: memref<16384xi32, #tpu.memory_space<hbm>>, %arg5: memref<16384xi32, #tpu.memory_space<hbm>>, %arg6: memref<16384xi32, #tpu.memory_space<hbm>>, %arg7: memref<16384xi32, #tpu.memory_space<hbm>>, %arg8: memref<16384xi32, #tpu.memory_space<hbm>>, %arg9: memref<16384xi32, #tpu.memory_space<hbm>>, %arg10: memref<1000000x64xf32, #tpu.memory_space<hbm>>, %arg11: memref<1000x64xf32, #tpu.memory_space<hbm>>, %arg12: memref<1000x64xf32, #tpu.memory_space<hbm>>, %arg13: memref<16384xf32, #tpu.memory_space<hbm>>, %arg14: memref<16384xf32, #tpu.memory_space<hbm>>, %arg15: memref<512xi32, #tpu.memory_space<vmem>>, %arg16: memref<512xi32, #tpu.memory_space<vmem>>, %arg17: memref<512xi32, #tpu.memory_space<vmem>>, %arg18: memref<512xi32, #tpu.memory_space<vmem>>, %arg19: memref<512xi32, #tpu.memory_space<vmem>>, %arg20: memref<512xi32, #tpu.memory_space<vmem>>, %arg21: memref<512xi32, #tpu.memory_space<vmem>>, %arg22: memref<128x64xf32, #tpu.memory_space<vmem>>, %arg23: memref<128x64xf32, #tpu.memory_space<vmem>>, %arg24: memref<128x64xf32, #tpu.memory_space<vmem>>, %arg25: memref<128x64xf32, #tpu.memory_space<vmem>>, %arg26: memref<128x64xf32, #tpu.memory_space<vmem>>, %arg27: memref<128x64xf32, #tpu.memory_space<vmem>>, %arg28: memref<128x64xf32, #tpu.memory_space<vmem>>, %arg29: memref<128x64xf32, #tpu.memory_space<vmem>>, %arg30: memref<512xf32, #tpu.memory_space<vmem>>, %arg31: memref<512xf32, #tpu.memory_space<vmem>>, %arg32: memref<!tpu.dma_semaphore, #tpu.memory_space<semaphore_mem>>, %arg33: memref<!tpu.dma_semaphore, #tpu.memory_space<semaphore_mem>>) attributes {dimension_semantics = [#tpu.dimension_semantics<core_parallel>, #tpu.dimension_semantics<subcore_parallel>], iteration_bounds = array<i64: 2, 16>, scalar_prefetch = 0 : i64, scratch_operands = 19 : i64, tpu.core_type = #tpu.core_type<sc_vector_subcore>, window_params = [{transform_indices = #map}, {transform_indices = #map}, {transform_indices = #map}, {transform_indices = #map}, {transform_indices = #map}, {transform_indices = #map}, {transform_indices = #map}, {transform_indices = #map}, {transform_indices = #map1}, {transform_indices = #map1}, {transform_indices = #map1}, {transform_indices = #map}, {transform_indices = #map}]} {
    %mul3A = arith.constant 2 : i32
    %mul3A_0 = arith.muli %arg1, %mul3A : i32
    %add3A = arith.addi %mul3A_0, %arg0 : i32
    %mul3A_1 = arith.constant 512 : i32
    %mul3A_2 = arith.muli %add3A, %mul3A_1 : i32
    "tpu.region"() ({
      %run_scoped3A = tpu.sem_alloc : memref<!tpu.dma_semaphore, #tpu.memory_space<semaphore_mem>>
      %dma_start3A_398 = tpu.memref_slice %arg2[%mul3A_2] : memref<16384xi32, #tpu.memory_space<hbm>> -> memref<512xi32, #tpu.memory_space<hbm>>
      %dma_start3A_399 = tpu.memref_slice %arg2[%mul3A_2] : memref<16384xi32, #tpu.memory_space<hbm>> -> memref<512xi32, #tpu.memory_space<hbm>>
      tpu.enqueue_dma source(%dma_start3A_399 : memref<512xi32, #tpu.memory_space<hbm>>) target(%arg15 : memref<512xi32, #tpu.memory_space<vmem>>) target_semaphore(%run_scoped3A : memref<!tpu.dma_semaphore, #tpu.memory_space<semaphore_mem>>)
      %dma_wait3A_400 = tpu.memref_slice %arg2[%mul3A_2] : memref<16384xi32, #tpu.memory_space<hbm>> -> memref<512xi32, #tpu.memory_space<hbm>>
      %dma_wait3A_401 = tpu.memref_slice %arg2[%mul3A_2] : memref<16384xi32, #tpu.memory_space<hbm>> -> memref<512xi32, #tpu.memory_space<hbm>>
      tpu.wait_dma2 semaphore(%run_scoped3A : memref<!tpu.dma_semaphore, #tpu.memory_space<semaphore_mem>>) src(%dma_wait3A_401 : memref<512xi32, #tpu.memory_space<hbm>>) dst(%arg15 : memref<512xi32, #tpu.memory_space<vmem>>)
      tpu.yield
    }) : () -> ()
    "tpu.region"() ({
      %run_scoped3A = tpu.sem_alloc : memref<!tpu.dma_semaphore, #tpu.memory_space<semaphore_mem>>
      %dma_start3A_398 = tpu.memref_slice %arg3[%mul3A_2] : memref<16384xi32, #tpu.memory_space<hbm>> -> memref<512xi32, #tpu.memory_space<hbm>>
      %dma_start3A_399 = tpu.memref_slice %arg3[%mul3A_2] : memref<16384xi32, #tpu.memory_space<hbm>> -> memref<512xi32, #tpu.memory_space<hbm>>
      tpu.enqueue_dma source(%dma_start3A_399 : memref<512xi32, #tpu.memory_space<hbm>>) target(%arg16 : memref<512xi32, #tpu.memory_space<vmem>>) target_semaphore(%run_scoped3A : memref<!tpu.dma_semaphore, #tpu.memory_space<semaphore_mem>>)
      %dma_wait3A_400 = tpu.memref_slice %arg3[%mul3A_2] : memref<16384xi32, #tpu.memory_space<hbm>> -> memref<512xi32, #tpu.memory_space<hbm>>
      %dma_wait3A_401 = tpu.memref_slice %arg3[%mul3A_2] : memref<16384xi32, #tpu.memory_space<hbm>> -> memref<512xi32, #tpu.memory_space<hbm>>
      tpu.wait_dma2 semaphore(%run_scoped3A : memref<!tpu.dma_semaphore, #tpu.memory_space<semaphore_mem>>) src(%dma_wait3A_401 : memref<512xi32, #tpu.memory_space<hbm>>) dst(%arg16 : memref<512xi32, #tpu.memory_space<vmem>>)
      tpu.yield
    }) : () -> ()
    "tpu.region"() ({
      %run_scoped3A = tpu.sem_alloc : memref<!tpu.dma_semaphore, #tpu.memory_space<semaphore_mem>>
      %dma_start3A_398 = tpu.memref_slice %arg4[%mul3A_2] : memref<16384xi32, #tpu.memory_space<hbm>> -> memref<512xi32, #tpu.memory_space<hbm>>
      %dma_start3A_399 = tpu.memref_slice %arg4[%mul3A_2] : memref<16384xi32, #tpu.memory_space<hbm>> -> memref<512xi32, #tpu.memory_space<hbm>>
      tpu.enqueue_dma source(%dma_start3A_399 : memref<512xi32, #tpu.memory_space<hbm>>) target(%arg17 : memref<512xi32, #tpu.memory_space<vmem>>) target_semaphore(%run_scoped3A : memref<!tpu.dma_semaphore, #tpu.memory_space<semaphore_mem>>)
      %dma_wait3A_400 = tpu.memref_slice %arg4[%mul3A_2] : memref<16384xi32, #tpu.memory_space<hbm>> -> memref<512xi32, #tpu.memory_space<hbm>>
      %dma_wait3A_401 = tpu.memref_slice %arg4[%mul3A_2] : memref<16384xi32, #tpu.memory_space<hbm>> -> memref<512xi32, #tpu.memory_space<hbm>>
      tpu.wait_dma2 semaphore(%run_scoped3A : memref<!tpu.dma_semaphore, #tpu.memory_space<semaphore_mem>>) src(%dma_wait3A_401 : memref<512xi32, #tpu.memory_space<hbm>>) dst(%arg17 : memref<512xi32, #tpu.memory_space<vmem>>)
      tpu.yield
    }) : () -> ()
    "tpu.region"() ({
      %run_scoped3A = tpu.sem_alloc : memref<!tpu.dma_semaphore, #tpu.memory_space<semaphore_mem>>
      %dma_start3A_398 = tpu.memref_slice %arg5[%mul3A_2] : memref<16384xi32, #tpu.memory_space<hbm>> -> memref<512xi32, #tpu.memory_space<hbm>>
      %dma_start3A_399 = tpu.memref_slice %arg5[%mul3A_2] : memref<16384xi32, #tpu.memory_space<hbm>> -> memref<512xi32, #tpu.memory_space<hbm>>
      tpu.enqueue_dma source(%dma_start3A_399 : memref<512xi32, #tpu.memory_space<hbm>>) target(%arg18 : memref<512xi32, #tpu.memory_space<vmem>>) target_semaphore(%run_scoped3A : memref<!tpu.dma_semaphore, #tpu.memory_space<semaphore_mem>>)
      %dma_wait3A_400 = tpu.memref_slice %arg5[%mul3A_2] : memref<16384xi32, #tpu.memory_space<hbm>> -> memref<512xi32, #tpu.memory_space<hbm>>
      %dma_wait3A_401 = tpu.memref_slice %arg5[%mul3A_2] : memref<16384xi32, #tpu.memory_space<hbm>> -> memref<512xi32, #tpu.memory_space<hbm>>
      tpu.wait_dma2 semaphore(%run_scoped3A : memref<!tpu.dma_semaphore, #tpu.memory_space<semaphore_mem>>) src(%dma_wait3A_401 : memref<512xi32, #tpu.memory_space<hbm>>) dst(%arg18 : memref<512xi32, #tpu.memory_space<vmem>>)
      tpu.yield
    }) : () -> ()
    "tpu.region"() ({
      %run_scoped3A = tpu.sem_alloc : memref<!tpu.dma_semaphore, #tpu.memory_space<semaphore_mem>>
      %dma_start3A_398 = tpu.memref_slice %arg6[%mul3A_2] : memref<16384xi32, #tpu.memory_space<hbm>> -> memref<512xi32, #tpu.memory_space<hbm>>
      %dma_start3A_399 = tpu.memref_slice %arg6[%mul3A_2] : memref<16384xi32, #tpu.memory_space<hbm>> -> memref<512xi32, #tpu.memory_space<hbm>>
      tpu.enqueue_dma source(%dma_start3A_399 : memref<512xi32, #tpu.memory_space<hbm>>) target(%arg19 : memref<512xi32, #tpu.memory_space<vmem>>) target_semaphore(%run_scoped3A : memref<!tpu.dma_semaphore, #tpu.memory_space<semaphore_mem>>)
      %dma_wait3A_400 = tpu.memref_slice %arg6[%mul3A_2] : memref<16384xi32, #tpu.memory_space<hbm>> -> memref<512xi32, #tpu.memory_space<hbm>>
      %dma_wait3A_401 = tpu.memref_slice %arg6[%mul3A_2] : memref<16384xi32, #tpu.memory_space<hbm>> -> memref<512xi32, #tpu.memory_space<hbm>>
      tpu.wait_dma2 semaphore(%run_scoped3A : memref<!tpu.dma_semaphore, #tpu.memory_space<semaphore_mem>>) src(%dma_wait3A_401 : memref<512xi32, #tpu.memory_space<hbm>>) dst(%arg19 : memref<512xi32, #tpu.memory_space<vmem>>)
      tpu.yield
    }) : () -> ()
    "tpu.region"() ({
      %run_scoped3A = tpu.sem_alloc : memref<!tpu.dma_semaphore, #tpu.memory_space<semaphore_mem>>
      %dma_start3A_398 = tpu.memref_slice %arg7[%mul3A_2] : memref<16384xi32, #tpu.memory_space<hbm>> -> memref<512xi32, #tpu.memory_space<hbm>>
      %dma_start3A_399 = tpu.memref_slice %arg7[%mul3A_2] : memref<16384xi32, #tpu.memory_space<hbm>> -> memref<512xi32, #tpu.memory_space<hbm>>
      tpu.enqueue_dma source(%dma_start3A_399 : memref<512xi32, #tpu.memory_space<hbm>>) target(%arg20 : memref<512xi32, #tpu.memory_space<vmem>>) target_semaphore(%run_scoped3A : memref<!tpu.dma_semaphore, #tpu.memory_space<semaphore_mem>>)
      %dma_wait3A_400 = tpu.memref_slice %arg7[%mul3A_2] : memref<16384xi32, #tpu.memory_space<hbm>> -> memref<512xi32, #tpu.memory_space<hbm>>
      %dma_wait3A_401 = tpu.memref_slice %arg7[%mul3A_2] : memref<16384xi32, #tpu.memory_space<hbm>> -> memref<512xi32, #tpu.memory_space<hbm>>
      tpu.wait_dma2 semaphore(%run_scoped3A : memref<!tpu.dma_semaphore, #tpu.memory_space<semaphore_mem>>) src(%dma_wait3A_401 : memref<512xi32, #tpu.memory_space<hbm>>) dst(%arg20 : memref<512xi32, #tpu.memory_space<vmem>>)
      tpu.yield
    }) : () -> ()
    "tpu.region"() ({
      %run_scoped3A = tpu.sem_alloc : memref<!tpu.dma_semaphore, #tpu.memory_space<semaphore_mem>>
      %dma_start3A_398 = tpu.memref_slice %arg8[%mul3A_2] : memref<16384xi32, #tpu.memory_space<hbm>> -> memref<512xi32, #tpu.memory_space<hbm>>
      %dma_start3A_399 = tpu.memref_slice %arg8[%mul3A_2] : memref<16384xi32, #tpu.memory_space<hbm>> -> memref<512xi32, #tpu.memory_space<hbm>>
      tpu.enqueue_dma source(%dma_start3A_399 : memref<512xi32, #tpu.memory_space<hbm>>) target(%arg21 : memref<512xi32, #tpu.memory_space<vmem>>) target_semaphore(%run_scoped3A : memref<!tpu.dma_semaphore, #tpu.memory_space<semaphore_mem>>)
      %dma_wait3A_400 = tpu.memref_slice %arg8[%mul3A_2] : memref<16384xi32, #tpu.memory_space<hbm>> -> memref<512xi32, #tpu.memory_space<hbm>>
      %dma_wait3A_401 = tpu.memref_slice %arg8[%mul3A_2] : memref<16384xi32, #tpu.memory_space<hbm>> -> memref<512xi32, #tpu.memory_space<hbm>>
      tpu.wait_dma2 semaphore(%run_scoped3A : memref<!tpu.dma_semaphore, #tpu.memory_space<semaphore_mem>>) src(%dma_wait3A_401 : memref<512xi32, #tpu.memory_space<hbm>>) dst(%arg21 : memref<512xi32, #tpu.memory_space<vmem>>)
      tpu.yield
    }) : () -> ()
    %dma_start3A = arith.constant 0 : i32
    %dma_start3A_3 = tpu.memref_slice %arg15[%dma_start3A] : memref<512xi32, #tpu.memory_space<vmem>> -> memref<128xi32, #tpu.memory_space<vmem>>
    %dma_start3A_4 = arith.constant 0 : i32
    %dma_start3A_5 = arith.constant 0 : i32
    %dma_start3A_6 = tpu.memref_slice %arg10[%dma_start3A_4, %dma_start3A_5] : memref<1000000x64xf32, #tpu.memory_space<hbm>> -> memref<1000000x64xf32, #tpu.memory_space<hbm>>
    tpu.enqueue_indirect_dma source(%dma_start3A_6 : memref<1000000x64xf32, #tpu.memory_space<hbm>>) target(%arg22 : memref<128x64xf32, #tpu.memory_space<vmem>>) offsets(%dma_start3A_3 : memref<128xi32, #tpu.memory_space<vmem>>) semaphore(%arg32 : memref<!tpu.dma_semaphore, #tpu.memory_space<semaphore_mem>>)
    %dma_start3A_7 = arith.constant 0 : i32
    %dma_start3A_8 = tpu.memref_slice %arg16[%dma_start3A_7] : memref<512xi32, #tpu.memory_space<vmem>> -> memref<128xi32, #tpu.memory_space<vmem>>
    %dma_start3A_9 = arith.constant 0 : i32
    %dma_start3A_10 = arith.constant 0 : i32
    %dma_start3A_11 = tpu.memref_slice %arg11[%dma_start3A_9, %dma_start3A_10] : memref<1000x64xf32, #tpu.memory_space<hbm>> -> memref<1000x64xf32, #tpu.memory_space<hbm>>
    tpu.enqueue_indirect_dma source(%dma_start3A_11 : memref<1000x64xf32, #tpu.memory_space<hbm>>) target(%arg23 : memref<128x64xf32, #tpu.memory_space<vmem>>) offsets(%dma_start3A_8 : memref<128xi32, #tpu.memory_space<vmem>>) semaphore(%arg32 : memref<!tpu.dma_semaphore, #tpu.memory_space<semaphore_mem>>)
    %dma_start3A_12 = arith.constant 0 : i32
    %dma_start3A_13 = tpu.memref_slice %arg18[%dma_start3A_12] : memref<512xi32, #tpu.memory_space<vmem>> -> memref<128xi32, #tpu.memory_space<vmem>>
    %dma_start3A_14 = arith.constant 0 : i32
    %dma_start3A_15 = arith.constant 0 : i32
    %dma_start3A_16 = tpu.memref_slice %arg12[%dma_start3A_14, %dma_start3A_15] : memref<1000x64xf32, #tpu.memory_space<hbm>> -> memref<1000x64xf32, #tpu.memory_space<hbm>>
    tpu.enqueue_indirect_dma source(%dma_start3A_16 : memref<1000x64xf32, #tpu.memory_space<hbm>>) target(%arg24 : memref<128x64xf32, #tpu.memory_space<vmem>>) offsets(%dma_start3A_13 : memref<128xi32, #tpu.memory_space<vmem>>) semaphore(%arg32 : memref<!tpu.dma_semaphore, #tpu.memory_space<semaphore_mem>>)
    %dma_start3A_17 = arith.constant 0 : i32
    %dma_start3A_18 = tpu.memref_slice %arg17[%dma_start3A_17] : memref<512xi32, #tpu.memory_space<vmem>> -> memref<128xi32, #tpu.memory_space<vmem>>
    %dma_start3A_19 = arith.constant 0 : i32
    %dma_start3A_20 = arith.constant 0 : i32
    %dma_start3A_21 = tpu.memref_slice %arg10[%dma_start3A_19, %dma_start3A_20] : memref<1000000x64xf32, #tpu.memory_space<hbm>> -> memref<1000000x64xf32, #tpu.memory_space<hbm>>
    tpu.enqueue_indirect_dma source(%dma_start3A_21 : memref<1000000x64xf32, #tpu.memory_space<hbm>>) target(%arg25 : memref<128x64xf32, #tpu.memory_space<vmem>>) offsets(%dma_start3A_18 : memref<128xi32, #tpu.memory_space<vmem>>) semaphore(%arg32 : memref<!tpu.dma_semaphore, #tpu.memory_space<semaphore_mem>>)
    %dma_wait3A = arith.constant 0 : i32
    %dma_wait3A_22 = tpu.memref_slice %arg15[%dma_wait3A] : memref<512xi32, #tpu.memory_space<vmem>> -> memref<128xi32, #tpu.memory_space<vmem>>
    %dma_wait3A_23 = arith.constant 0 : i32
    %dma_wait3A_24 = arith.constant 0 : i32
    %dma_wait3A_25 = tpu.memref_slice %arg10[%dma_wait3A_23, %dma_wait3A_24] : memref<1000000x64xf32, #tpu.memory_space<hbm>> -> memref<1000000x64xf32, #tpu.memory_space<hbm>>
    tpu.wait_indirect_dma semaphore(%arg32 : memref<!tpu.dma_semaphore, #tpu.memory_space<semaphore_mem>>) src(%dma_wait3A_25 : memref<1000000x64xf32, #tpu.memory_space<hbm>>) dst(%arg22 : memref<128x64xf32, #tpu.memory_space<vmem>>)
    %dma_wait3A_26 = arith.constant 0 : i32
    %dma_wait3A_27 = tpu.memref_slice %arg16[%dma_wait3A_26] : memref<512xi32, #tpu.memory_space<vmem>> -> memref<128xi32, #tpu.memory_space<vmem>>
    %dma_wait3A_28 = arith.constant 0 : i32
    %dma_wait3A_29 = arith.constant 0 : i32
    %dma_wait3A_30 = tpu.memref_slice %arg11[%dma_wait3A_28, %dma_wait3A_29] : memref<1000x64xf32, #tpu.memory_space<hbm>> -> memref<1000x64xf32, #tpu.memory_space<hbm>>
    tpu.wait_indirect_dma semaphore(%arg32 : memref<!tpu.dma_semaphore, #tpu.memory_space<semaphore_mem>>) src(%dma_wait3A_30 : memref<1000x64xf32, #tpu.memory_space<hbm>>) dst(%arg23 : memref<128x64xf32, #tpu.memory_space<vmem>>)
    %dma_wait3A_31 = arith.constant 0 : i32
    %dma_wait3A_32 = tpu.memref_slice %arg18[%dma_wait3A_31] : memref<512xi32, #tpu.memory_space<vmem>> -> memref<128xi32, #tpu.memory_space<vmem>>
    %dma_wait3A_33 = arith.constant 0 : i32
    %dma_wait3A_34 = arith.constant 0 : i32
    %dma_wait3A_35 = tpu.memref_slice %arg12[%dma_wait3A_33, %dma_wait3A_34] : memref<1000x64xf32, #tpu.memory_space<hbm>> -> memref<1000x64xf32, #tpu.memory_space<hbm>>
    tpu.wait_indirect_dma semaphore(%arg32 : memref<!tpu.dma_semaphore, #tpu.memory_space<semaphore_mem>>) src(%dma_wait3A_35 : memref<1000x64xf32, #tpu.memory_space<hbm>>) dst(%arg24 : memref<128x64xf32, #tpu.memory_space<vmem>>)
    %dma_wait3A_36 = arith.constant 0 : i32
    %dma_wait3A_37 = tpu.memref_slice %arg17[%dma_wait3A_36] : memref<512xi32, #tpu.memory_space<vmem>> -> memref<128xi32, #tpu.memory_space<vmem>>
    %dma_wait3A_38 = arith.constant 0 : i32
    %dma_wait3A_39 = arith.constant 0 : i32
    %dma_wait3A_40 = tpu.memref_slice %arg10[%dma_wait3A_38, %dma_wait3A_39] : memref<1000000x64xf32, #tpu.memory_space<hbm>> -> memref<1000000x64xf32, #tpu.memory_space<hbm>>
    tpu.wait_indirect_dma semaphore(%arg32 : memref<!tpu.dma_semaphore, #tpu.memory_space<semaphore_mem>>) src(%dma_wait3A_40 : memref<1000000x64xf32, #tpu.memory_space<hbm>>) dst(%arg25 : memref<128x64xf32, #tpu.memory_space<vmem>>)
    %dma_start3A_41 = arith.constant 128 : i32
    %dma_start3A_42 = tpu.memref_slice %arg15[%dma_start3A_41] : memref<512xi32, #tpu.memory_space<vmem>> -> memref<128xi32, #tpu.memory_space<vmem>>
    %dma_start3A_43 = arith.constant 0 : i32
    %dma_start3A_44 = arith.constant 0 : i32
    %dma_start3A_45 = tpu.memref_slice %arg10[%dma_start3A_43, %dma_start3A_44] : memref<1000000x64xf32, #tpu.memory_space<hbm>> -> memref<1000000x64xf32, #tpu.memory_space<hbm>>
    tpu.enqueue_indirect_dma source(%dma_start3A_45 : memref<1000000x64xf32, #tpu.memory_space<hbm>>) target(%arg26 : memref<128x64xf32, #tpu.memory_space<vmem>>) offsets(%dma_start3A_42 : memref<128xi32, #tpu.memory_space<vmem>>) semaphore(%arg33 : memref<!tpu.dma_semaphore, #tpu.memory_space<semaphore_mem>>)
    %dma_start3A_46 = arith.constant 128 : i32
    %dma_start3A_47 = tpu.memref_slice %arg16[%dma_start3A_46] : memref<512xi32, #tpu.memory_space<vmem>> -> memref<128xi32, #tpu.memory_space<vmem>>
    %dma_start3A_48 = arith.constant 0 : i32
    %dma_start3A_49 = arith.constant 0 : i32
    %dma_start3A_50 = tpu.memref_slice %arg11[%dma_start3A_48, %dma_start3A_49] : memref<1000x64xf32, #tpu.memory_space<hbm>> -> memref<1000x64xf32, #tpu.memory_space<hbm>>
    tpu.enqueue_indirect_dma source(%dma_start3A_50 : memref<1000x64xf32, #tpu.memory_space<hbm>>) target(%arg27 : memref<128x64xf32, #tpu.memory_space<vmem>>) offsets(%dma_start3A_47 : memref<128xi32, #tpu.memory_space<vmem>>) semaphore(%arg33 : memref<!tpu.dma_semaphore, #tpu.memory_space<semaphore_mem>>)
    %dma_start3A_51 = arith.constant 128 : i32
    %dma_start3A_52 = tpu.memref_slice %arg18[%dma_start3A_51] : memref<512xi32, #tpu.memory_space<vmem>> -> memref<128xi32, #tpu.memory_space<vmem>>
    %dma_start3A_53 = arith.constant 0 : i32
    %dma_start3A_54 = arith.constant 0 : i32
    %dma_start3A_55 = tpu.memref_slice %arg12[%dma_start3A_53, %dma_start3A_54] : memref<1000x64xf32, #tpu.memory_space<hbm>> -> memref<1000x64xf32, #tpu.memory_space<hbm>>
    tpu.enqueue_indirect_dma source(%dma_start3A_55 : memref<1000x64xf32, #tpu.memory_space<hbm>>) target(%arg28 : memref<128x64xf32, #tpu.memory_space<vmem>>) offsets(%dma_start3A_52 : memref<128xi32, #tpu.memory_space<vmem>>) semaphore(%arg33 : memref<!tpu.dma_semaphore, #tpu.memory_space<semaphore_mem>>)
    %dma_start3A_56 = arith.constant 128 : i32
    %dma_start3A_57 = tpu.memref_slice %arg17[%dma_start3A_56] : memref<512xi32, #tpu.memory_space<vmem>> -> memref<128xi32, #tpu.memory_space<vmem>>
    %dma_start3A_58 = arith.constant 0 : i32
    %dma_start3A_59 = arith.constant 0 : i32
    %dma_start3A_60 = tpu.memref_slice %arg10[%dma_start3A_58, %dma_start3A_59] : memref<1000000x64xf32, #tpu.memory_space<hbm>> -> memref<1000000x64xf32, #tpu.memory_space<hbm>>
    tpu.enqueue_indirect_dma source(%dma_start3A_60 : memref<1000000x64xf32, #tpu.memory_space<hbm>>) target(%arg29 : memref<128x64xf32, #tpu.memory_space<vmem>>) offsets(%dma_start3A_57 : memref<128xi32, #tpu.memory_space<vmem>>) semaphore(%arg33 : memref<!tpu.dma_semaphore, #tpu.memory_space<semaphore_mem>>)
    %iota3A = tpu.iota {dimensions = array<i32: 0>} : vector<16xi32>
    %eq3A = arith.constant 15 : i32
    %eq3A_61 = vector.broadcast %eq3A : i32 to vector<16xi32>
    %eq3A_62 = arith.cmpi eq, %iota3A, %eq3A_61 : vector<16xi32>
    %scan3A = arith.constant 0 : i32
    %scan3A_63 = arith.constant 0 : i32
    %scan3A_64 = arith.constant 128 : i32
    %scan3A_65 = arith.addi %scan3A_63, %scan3A_64 : i32
    %scan3A_66 = arith.constant 1 : i32
    scf.for %scan3A_398 = %scan3A_63 to %scan3A_65 step %scan3A_66  : i32 {
      %broadcast_in_dim3A = arith.constant 0.000000e+00 : f32
      %broadcast_in_dim3A_399 = vector.broadcast %broadcast_in_dim3A : f32 to vector<16xf32>
      %get3A = arith.index_cast %scan3A_398 : i32 to index
      %get3A_400 = arith.constant 0 : index
      %get3A_401 = tpu.vector_load %arg22[%get3A, %get3A_400] {strides = array<i32>} : memref<128x64xf32, #tpu.memory_space<vmem>>, vector<16xf32>,
      %get3A_402 = arith.index_cast %scan3A_398 : i32 to index
      %get3A_403 = arith.constant 0 : index
      %get3A_404 = tpu.vector_load %arg23[%get3A_402, %get3A_403] {strides = array<i32>} : memref<128x64xf32, #tpu.memory_space<vmem>>, vector<16xf32>,
      %add3A_405 = arith.addf %get3A_401, %get3A_404 : vector<16xf32>
      %get3A_406 = arith.index_cast %scan3A_398 : i32 to index
      %get3A_407 = arith.constant 0 : index
      %get3A_408 = tpu.vector_load %arg24[%get3A_406, %get3A_407] {strides = array<i32>} : memref<128x64xf32, #tpu.memory_space<vmem>>, vector<16xf32>,
      %add3A_409 = arith.addf %add3A_405, %get3A_408 : vector<16xf32>
      %get3A_410 = arith.index_cast %scan3A_398 : i32 to index
      %get3A_411 = arith.constant 0 : index
      %get3A_412 = tpu.vector_load %arg25[%get3A_410, %get3A_411] {strides = array<i32>} : memref<128x64xf32, #tpu.memory_space<vmem>>, vector<16xf32>,
      %sub3A = arith.subf %add3A_409, %get3A_412 : vector<16xf32>
      %abs3A = math.absf %sub3A : vector<16xf32>
      %add3A_413 = arith.addf %broadcast_in_dim3A_399, %abs3A : vector<16xf32>
      %get3A_414 = arith.index_cast %scan3A_398 : i32 to index
      %get3A_415 = arith.constant 16 : index
      %get3A_416 = tpu.vector_load %arg22[%get3A_414, %get3A_415] {strides = array<i32>} : memref<128x64xf32, #tpu.memory_space<vmem>>, vector<16xf32>,
      %get3A_417 = arith.index_cast %scan3A_398 : i32 to index
      %get3A_418 = arith.constant 16 : index
      %get3A_419 = tpu.vector_load %arg23[%get3A_417, %get3A_418] {strides = array<i32>} : memref<128x64xf32, #tpu.memory_space<vmem>>, vector<16xf32>,
      %add3A_420 = arith.addf %get3A_416, %get3A_419 : vector<16xf32>
      %get3A_421 = arith.index_cast %scan3A_398 : i32 to index
      %get3A_422 = arith.constant 16 : index
      %get3A_423 = tpu.vector_load %arg24[%get3A_421, %get3A_422] {strides = array<i32>} : memref<128x64xf32, #tpu.memory_space<vmem>>, vector<16xf32>,
      %add3A_424 = arith.addf %add3A_420, %get3A_423 : vector<16xf32>
      %get3A_425 = arith.index_cast %scan3A_398 : i32 to index
      %get3A_426 = arith.constant 16 : index
      %get3A_427 = tpu.vector_load %arg25[%get3A_425, %get3A_426] {strides = array<i32>} : memref<128x64xf32, #tpu.memory_space<vmem>>, vector<16xf32>,
      %sub3A_428 = arith.subf %add3A_424, %get3A_427 : vector<16xf32>
      %abs3A_429 = math.absf %sub3A_428 : vector<16xf32>
      %add3A_430 = arith.addf %add3A_413, %abs3A_429 : vector<16xf32>
      %get3A_431 = arith.index_cast %scan3A_398 : i32 to index
      %get3A_432 = arith.constant 32 : index
      %get3A_433 = tpu.vector_load %arg22[%get3A_431, %get3A_432] {strides = array<i32>} : memref<128x64xf32, #tpu.memory_space<vmem>>, vector<16xf32>,
      %get3A_434 = arith.index_cast %scan3A_398 : i32 to index
      %get3A_435 = arith.constant 32 : index
      %get3A_436 = tpu.vector_load %arg23[%get3A_434, %get3A_435] {strides = array<i32>} : memref<128x64xf32, #tpu.memory_space<vmem>>, vector<16xf32>,
      %add3A_437 = arith.addf %get3A_433, %get3A_436 : vector<16xf32>
      %get3A_438 = arith.index_cast %scan3A_398 : i32 to index
      %get3A_439 = arith.constant 32 : index
      %get3A_440 = tpu.vector_load %arg24[%get3A_438, %get3A_439] {strides = array<i32>} : memref<128x64xf32, #tpu.memory_space<vmem>>, vector<16xf32>,
      %add3A_441 = arith.addf %add3A_437, %get3A_440 : vector<16xf32>
      %get3A_442 = arith.index_cast %scan3A_398 : i32 to index
      %get3A_443 = arith.constant 32 : index
      %get3A_444 = tpu.vector_load %arg25[%get3A_442, %get3A_443] {strides = array<i32>} : memref<128x64xf32, #tpu.memory_space<vmem>>, vector<16xf32>,
      %sub3A_445 = arith.subf %add3A_441, %get3A_444 : vector<16xf32>
      %abs3A_446 = math.absf %sub3A_445 : vector<16xf32>
      %add3A_447 = arith.addf %add3A_430, %abs3A_446 : vector<16xf32>
      %get3A_448 = arith.index_cast %scan3A_398 : i32 to index
      %get3A_449 = arith.constant 48 : index
      %get3A_450 = tpu.vector_load %arg22[%get3A_448, %get3A_449] {strides = array<i32>} : memref<128x64xf32, #tpu.memory_space<vmem>>, vector<16xf32>,
      %get3A_451 = arith.index_cast %scan3A_398 : i32 to index
      %get3A_452 = arith.constant 48 : index
      %get3A_453 = tpu.vector_load %arg23[%get3A_451, %get3A_452] {strides = array<i32>} : memref<128x64xf32, #tpu.memory_space<vmem>>, vector<16xf32>,
      %add3A_454 = arith.addf %get3A_450, %get3A_453 : vector<16xf32>
      %get3A_455 = arith.index_cast %scan3A_398 : i32 to index
      %get3A_456 = arith.constant 48 : index
      %get3A_457 = tpu.vector_load %arg24[%get3A_455, %get3A_456] {strides = array<i32>} : memref<128x64xf32, #tpu.memory_space<vmem>>, vector<16xf32>,
      %add3A_458 = arith.addf %add3A_454, %get3A_457 : vector<16xf32>
      %get3A_459 = arith.index_cast %scan3A_398 : i32 to index
      %get3A_460 = arith.constant 48 : index
      %get3A_461 = tpu.vector_load %arg25[%get3A_459, %get3A_460] {strides = array<i32>} : memref<128x64xf32, #tpu.memory_space<vmem>>, vector<16xf32>,
      %sub3A_462 = arith.subf %add3A_458, %get3A_461 : vector<16xf32>
      %abs3A_463 = math.absf %sub3A_462 : vector<16xf32>
      %add3A_464 = arith.addf %add3A_447, %abs3A_463 : vector<16xf32>
      %broadcast_in_dim3A_465 = arith.constant true
      %broadcast_in_dim3A_466 = vector.broadcast %broadcast_in_dim3A_465 : i1 to vector<16xi1>
      %masked_cumsum3A = tpu.scan <sum>, %add3A_464 masked %broadcast_in_dim3A_466 : vector<16xf32>, vector<16xi1> -> vector<16xf32>
      %add3A_467 = arith.constant 0 : i32
      %add3A_468 = arith.addi %add3A_467, %scan3A_398 : i32
      %broadcast_in_dim3A_469 = vector.broadcast %add3A_468 : i32 to vector<16xi32>
      tpu.vector_store_idx %arg30[%broadcast_in_dim3A_469], %masked_cumsum3A masked %eq3A_62 : memref<512xf32, #tpu.memory_space<vmem>>[vector<16xi32>], vector<16xf32>, vector<16xi1>
    }
    %scan3A_67 = arith.constant 128 : i32
    %dma_wait3A_68 = arith.constant 128 : i32
    %dma_wait3A_69 = tpu.memref_slice %arg15[%dma_wait3A_68] : memref<512xi32, #tpu.memory_space<vmem>> -> memref<128xi32, #tpu.memory_space<vmem>>
    %dma_wait3A_70 = arith.constant 0 : i32
    %dma_wait3A_71 = arith.constant 0 : i32
    %dma_wait3A_72 = tpu.memref_slice %arg10[%dma_wait3A_70, %dma_wait3A_71] : memref<1000000x64xf32, #tpu.memory_space<hbm>> -> memref<1000000x64xf32, #tpu.memory_space<hbm>>
    tpu.wait_indirect_dma semaphore(%arg33 : memref<!tpu.dma_semaphore, #tpu.memory_space<semaphore_mem>>) src(%dma_wait3A_72 : memref<1000000x64xf32, #tpu.memory_space<hbm>>) dst(%arg26 : memref<128x64xf32, #tpu.memory_space<vmem>>)
    %dma_wait3A_73 = arith.constant 128 : i32
    %dma_wait3A_74 = tpu.memref_slice %arg16[%dma_wait3A_73] : memref<512xi32, #tpu.memory_space<vmem>> -> memref<128xi32, #tpu.memory_space<vmem>>
    %dma_wait3A_75 = arith.constant 0 : i32
    %dma_wait3A_76 = arith.constant 0 : i32
    %dma_wait3A_77 = tpu.memref_slice %arg11[%dma_wait3A_75, %dma_wait3A_76] : memref<1000x64xf32, #tpu.memory_space<hbm>> -> memref<1000x64xf32, #tpu.memory_space<hbm>>
    tpu.wait_indirect_dma semaphore(%arg33 : memref<!tpu.dma_semaphore, #tpu.memory_space<semaphore_mem>>) src(%dma_wait3A_77 : memref<1000x64xf32, #tpu.memory_space<hbm>>) dst(%arg27 : memref<128x64xf32, #tpu.memory_space<vmem>>)
    %dma_wait3A_78 = arith.constant 128 : i32
    %dma_wait3A_79 = tpu.memref_slice %arg18[%dma_wait3A_78] : memref<512xi32, #tpu.memory_space<vmem>> -> memref<128xi32, #tpu.memory_space<vmem>>
    %dma_wait3A_80 = arith.constant 0 : i32
    %dma_wait3A_81 = arith.constant 0 : i32
    %dma_wait3A_82 = tpu.memref_slice %arg12[%dma_wait3A_80, %dma_wait3A_81] : memref<1000x64xf32, #tpu.memory_space<hbm>> -> memref<1000x64xf32, #tpu.memory_space<hbm>>
    tpu.wait_indirect_dma semaphore(%arg33 : memref<!tpu.dma_semaphore, #tpu.memory_space<semaphore_mem>>) src(%dma_wait3A_82 : memref<1000x64xf32, #tpu.memory_space<hbm>>) dst(%arg28 : memref<128x64xf32, #tpu.memory_space<vmem>>)
    %dma_wait3A_83 = arith.constant 128 : i32
    %dma_wait3A_84 = tpu.memref_slice %arg17[%dma_wait3A_83] : memref<512xi32, #tpu.memory_space<vmem>> -> memref<128xi32, #tpu.memory_space<vmem>>
    %dma_wait3A_85 = arith.constant 0 : i32
    %dma_wait3A_86 = arith.constant 0 : i32
    %dma_wait3A_87 = tpu.memref_slice %arg10[%dma_wait3A_85, %dma_wait3A_86] : memref<1000000x64xf32, #tpu.memory_space<hbm>> -> memref<1000000x64xf32, #tpu.memory_space<hbm>>
    tpu.wait_indirect_dma semaphore(%arg33 : memref<!tpu.dma_semaphore, #tpu.memory_space<semaphore_mem>>) src(%dma_wait3A_87 : memref<1000000x64xf32, #tpu.memory_space<hbm>>) dst(%arg29 : memref<128x64xf32, #tpu.memory_space<vmem>>)
    %dma_start3A_88 = arith.constant 256 : i32
    %dma_start3A_89 = tpu.memref_slice %arg15[%dma_start3A_88] : memref<512xi32, #tpu.memory_space<vmem>> -> memref<128xi32, #tpu.memory_space<vmem>>
    %dma_start3A_90 = arith.constant 0 : i32
    %dma_start3A_91 = arith.constant 0 : i32
    %dma_start3A_92 = tpu.memref_slice %arg10[%dma_start3A_90, %dma_start3A_91] : memref<1000000x64xf32, #tpu.memory_space<hbm>> -> memref<1000000x64xf32, #tpu.memory_space<hbm>>
    tpu.enqueue_indirect_dma source(%dma_start3A_92 : memref<1000000x64xf32, #tpu.memory_space<hbm>>) target(%arg22 : memref<128x64xf32, #tpu.memory_space<vmem>>) offsets(%dma_start3A_89 : memref<128xi32, #tpu.memory_space<vmem>>) semaphore(%arg32 : memref<!tpu.dma_semaphore, #tpu.memory_space<semaphore_mem>>)
    %dma_start3A_93 = arith.constant 256 : i32
    %dma_start3A_94 = tpu.memref_slice %arg16[%dma_start3A_93] : memref<512xi32, #tpu.memory_space<vmem>> -> memref<128xi32, #tpu.memory_space<vmem>>
    %dma_start3A_95 = arith.constant 0 : i32
    %dma_start3A_96 = arith.constant 0 : i32
    %dma_start3A_97 = tpu.memref_slice %arg11[%dma_start3A_95, %dma_start3A_96] : memref<1000x64xf32, #tpu.memory_space<hbm>> -> memref<1000x64xf32, #tpu.memory_space<hbm>>
    tpu.enqueue_indirect_dma source(%dma_start3A_97 : memref<1000x64xf32, #tpu.memory_space<hbm>>) target(%arg23 : memref<128x64xf32, #tpu.memory_space<vmem>>) offsets(%dma_start3A_94 : memref<128xi32, #tpu.memory_space<vmem>>) semaphore(%arg32 : memref<!tpu.dma_semaphore, #tpu.memory_space<semaphore_mem>>)
    %dma_start3A_98 = arith.constant 256 : i32
    %dma_start3A_99 = tpu.memref_slice %arg18[%dma_start3A_98] : memref<512xi32, #tpu.memory_space<vmem>> -> memref<128xi32, #tpu.memory_space<vmem>>
    %dma_start3A_100 = arith.constant 0 : i32
    %dma_start3A_101 = arith.constant 0 : i32
    %dma_start3A_102 = tpu.memref_slice %arg12[%dma_start3A_100, %dma_start3A_101] : memref<1000x64xf32, #tpu.memory_space<hbm>> -> memref<1000x64xf32, #tpu.memory_space<hbm>>
    tpu.enqueue_indirect_dma source(%dma_start3A_102 : memref<1000x64xf32, #tpu.memory_space<hbm>>) target(%arg24 : memref<128x64xf32, #tpu.memory_space<vmem>>) offsets(%dma_start3A_99 : memref<128xi32, #tpu.memory_space<vmem>>) semaphore(%arg32 : memref<!tpu.dma_semaphore, #tpu.memory_space<semaphore_mem>>)
    %dma_start3A_103 = arith.constant 256 : i32
    %dma_start3A_104 = tpu.memref_slice %arg17[%dma_start3A_103] : memref<512xi32, #tpu.memory_space<vmem>> -> memref<128xi32, #tpu.memory_space<vmem>>
    %dma_start3A_105 = arith.constant 0 : i32
    %dma_start3A_106 = arith.constant 0 : i32
    %dma_start3A_107 = tpu.memref_slice %arg10[%dma_start3A_105, %dma_start3A_106] : memref<1000000x64xf32, #tpu.memory_space<hbm>> -> memref<1000000x64xf32, #tpu.memory_space<hbm>>
    tpu.enqueue_indirect_dma source(%dma_start3A_107 : memref<1000000x64xf32, #tpu.memory_space<hbm>>) target(%arg25 : memref<128x64xf32, #tpu.memory_space<vmem>>) offsets(%dma_start3A_104 : memref<128xi32, #tpu.memory_space<vmem>>) semaphore(%arg32 : memref<!tpu.dma_semaphore, #tpu.memory_space<semaphore_mem>>)
    %iota3A_108 = tpu.iota {dimensions = array<i32: 0>} : vector<16xi32>
    %eq3A_109 = arith.constant 15 : i32
    %eq3A_110 = vector.broadcast %eq3A_109 : i32 to vector<16xi32>
    %eq3A_111 = arith.cmpi eq, %iota3A_108, %eq3A_110 : vector<16xi32>
    %scan3A_112 = arith.constant 0 : i32
    %scan3A_113 = arith.constant 0 : i32
    %scan3A_114 = arith.constant 128 : i32
    %scan3A_115 = arith.addi %scan3A_113, %scan3A_114 : i32
    %scan3A_116 = arith.constant 1 : i32
    scf.for %scan3A_398 = %scan3A_113 to %scan3A_115 step %scan3A_116  : i32 {
      %broadcast_in_dim3A = arith.constant 0.000000e+00 : f32
      %broadcast_in_dim3A_399 = vector.broadcast %broadcast_in_dim3A : f32 to vector<16xf32>
      %get3A = arith.index_cast %scan3A_398 : i32 to index
      %get3A_400 = arith.constant 0 : index
      %get3A_401 = tpu.vector_load %arg26[%get3A, %get3A_400] {strides = array<i32>} : memref<128x64xf32, #tpu.memory_space<vmem>>, vector<16xf32>,
      %get3A_402 = arith.index_cast %scan3A_398 : i32 to index
      %get3A_403 = arith.constant 0 : index
      %get3A_404 = tpu.vector_load %arg27[%get3A_402, %get3A_403] {strides = array<i32>} : memref<128x64xf32, #tpu.memory_space<vmem>>, vector<16xf32>,
      %add3A_405 = arith.addf %get3A_401, %get3A_404 : vector<16xf32>
      %get3A_406 = arith.index_cast %scan3A_398 : i32 to index
      %get3A_407 = arith.constant 0 : index
      %get3A_408 = tpu.vector_load %arg28[%get3A_406, %get3A_407] {strides = array<i32>} : memref<128x64xf32, #tpu.memory_space<vmem>>, vector<16xf32>,
      %add3A_409 = arith.addf %add3A_405, %get3A_408 : vector<16xf32>
      %get3A_410 = arith.index_cast %scan3A_398 : i32 to index
      %get3A_411 = arith.constant 0 : index
      %get3A_412 = tpu.vector_load %arg29[%get3A_410, %get3A_411] {strides = array<i32>} : memref<128x64xf32, #tpu.memory_space<vmem>>, vector<16xf32>,
      %sub3A = arith.subf %add3A_409, %get3A_412 : vector<16xf32>
      %abs3A = math.absf %sub3A : vector<16xf32>
      %add3A_413 = arith.addf %broadcast_in_dim3A_399, %abs3A : vector<16xf32>
      %get3A_414 = arith.index_cast %scan3A_398 : i32 to index
      %get3A_415 = arith.constant 16 : index
      %get3A_416 = tpu.vector_load %arg26[%get3A_414, %get3A_415] {strides = array<i32>} : memref<128x64xf32, #tpu.memory_space<vmem>>, vector<16xf32>,
      %get3A_417 = arith.index_cast %scan3A_398 : i32 to index
      %get3A_418 = arith.constant 16 : index
      %get3A_419 = tpu.vector_load %arg27[%get3A_417, %get3A_418] {strides = array<i32>} : memref<128x64xf32, #tpu.memory_space<vmem>>, vector<16xf32>,
      %add3A_420 = arith.addf %get3A_416, %get3A_419 : vector<16xf32>
      %get3A_421 = arith.index_cast %scan3A_398 : i32 to index
      %get3A_422 = arith.constant 16 : index
      %get3A_423 = tpu.vector_load %arg28[%get3A_421, %get3A_422] {strides = array<i32>} : memref<128x64xf32, #tpu.memory_space<vmem>>, vector<16xf32>,
      %add3A_424 = arith.addf %add3A_420, %get3A_423 : vector<16xf32>
      %get3A_425 = arith.index_cast %scan3A_398 : i32 to index
      %get3A_426 = arith.constant 16 : index
      %get3A_427 = tpu.vector_load %arg29[%get3A_425, %get3A_426] {strides = array<i32>} : memref<128x64xf32, #tpu.memory_space<vmem>>, vector<16xf32>,
      %sub3A_428 = arith.subf %add3A_424, %get3A_427 : vector<16xf32>
      %abs3A_429 = math.absf %sub3A_428 : vector<16xf32>
      %add3A_430 = arith.addf %add3A_413, %abs3A_429 : vector<16xf32>
      %get3A_431 = arith.index_cast %scan3A_398 : i32 to index
      %get3A_432 = arith.constant 32 : index
      %get3A_433 = tpu.vector_load %arg26[%get3A_431, %get3A_432] {strides = array<i32>} : memref<128x64xf32, #tpu.memory_space<vmem>>, vector<16xf32>,
      %get3A_434 = arith.index_cast %scan3A_398 : i32 to index
      %get3A_435 = arith.constant 32 : index
      %get3A_436 = tpu.vector_load %arg27[%get3A_434, %get3A_435] {strides = array<i32>} : memref<128x64xf32, #tpu.memory_space<vmem>>, vector<16xf32>,
      %add3A_437 = arith.addf %get3A_433, %get3A_436 : vector<16xf32>
      %get3A_438 = arith.index_cast %scan3A_398 : i32 to index
      %get3A_439 = arith.constant 32 : index
      %get3A_440 = tpu.vector_load %arg28[%get3A_438, %get3A_439] {strides = array<i32>} : memref<128x64xf32, #tpu.memory_space<vmem>>, vector<16xf32>,
      %add3A_441 = arith.addf %add3A_437, %get3A_440 : vector<16xf32>
      %get3A_442 = arith.index_cast %scan3A_398 : i32 to index
      %get3A_443 = arith.constant 32 : index
      %get3A_444 = tpu.vector_load %arg29[%get3A_442, %get3A_443] {strides = array<i32>} : memref<128x64xf32, #tpu.memory_space<vmem>>, vector<16xf32>,
      %sub3A_445 = arith.subf %add3A_441, %get3A_444 : vector<16xf32>
      %abs3A_446 = math.absf %sub3A_445 : vector<16xf32>
      %add3A_447 = arith.addf %add3A_430, %abs3A_446 : vector<16xf32>
      %get3A_448 = arith.index_cast %scan3A_398 : i32 to index
      %get3A_449 = arith.constant 48 : index
      %get3A_450 = tpu.vector_load %arg26[%get3A_448, %get3A_449] {strides = array<i32>} : memref<128x64xf32, #tpu.memory_space<vmem>>, vector<16xf32>,
      %get3A_451 = arith.index_cast %scan3A_398 : i32 to index
      %get3A_452 = arith.constant 48 : index
      %get3A_453 = tpu.vector_load %arg27[%get3A_451, %get3A_452] {strides = array<i32>} : memref<128x64xf32, #tpu.memory_space<vmem>>, vector<16xf32>,
      %add3A_454 = arith.addf %get3A_450, %get3A_453 : vector<16xf32>
      %get3A_455 = arith.index_cast %scan3A_398 : i32 to index
      %get3A_456 = arith.constant 48 : index
      %get3A_457 = tpu.vector_load %arg28[%get3A_455, %get3A_456] {strides = array<i32>} : memref<128x64xf32, #tpu.memory_space<vmem>>, vector<16xf32>,
      %add3A_458 = arith.addf %add3A_454, %get3A_457 : vector<16xf32>
      %get3A_459 = arith.index_cast %scan3A_398 : i32 to index
      %get3A_460 = arith.constant 48 : index
      %get3A_461 = tpu.vector_load %arg29[%get3A_459, %get3A_460] {strides = array<i32>} : memref<128x64xf32, #tpu.memory_space<vmem>>, vector<16xf32>,
      %sub3A_462 = arith.subf %add3A_458, %get3A_461 : vector<16xf32>
      %abs3A_463 = math.absf %sub3A_462 : vector<16xf32>
      %add3A_464 = arith.addf %add3A_447, %abs3A_463 : vector<16xf32>
      %broadcast_in_dim3A_465 = arith.constant true
      %broadcast_in_dim3A_466 = vector.broadcast %broadcast_in_dim3A_465 : i1 to vector<16xi1>
      %masked_cumsum3A = tpu.scan <sum>, %add3A_464 masked %broadcast_in_dim3A_466 : vector<16xf32>, vector<16xi1> -> vector<16xf32>
      %add3A_467 = arith.constant 128 : i32
      %add3A_468 = arith.addi %add3A_467, %scan3A_398 : i32
      %broadcast_in_dim3A_469 = vector.broadcast %add3A_468 : i32 to vector<16xi32>
      tpu.vector_store_idx %arg30[%broadcast_in_dim3A_469], %masked_cumsum3A masked %eq3A_111 : memref<512xf32, #tpu.memory_space<vmem>>[vector<16xi32>], vector<16xf32>, vector<16xi1>
    }
    %scan3A_117 = arith.constant 128 : i32
    %dma_wait3A_118 = arith.constant 256 : i32
    %dma_wait3A_119 = tpu.memref_slice %arg15[%dma_wait3A_118] : memref<512xi32, #tpu.memory_space<vmem>> -> memref<128xi32, #tpu.memory_space<vmem>>
    %dma_wait3A_120 = arith.constant 0 : i32
    %dma_wait3A_121 = arith.constant 0 : i32
    %dma_wait3A_122 = tpu.memref_slice %arg10[%dma_wait3A_120, %dma_wait3A_121] : memref<1000000x64xf32, #tpu.memory_space<hbm>> -> memref<1000000x64xf32, #tpu.memory_space<hbm>>
    tpu.wait_indirect_dma semaphore(%arg32 : memref<!tpu.dma_semaphore, #tpu.memory_space<semaphore_mem>>) src(%dma_wait3A_122 : memref<1000000x64xf32, #tpu.memory_space<hbm>>) dst(%arg22 : memref<128x64xf32, #tpu.memory_space<vmem>>)
    %dma_wait3A_123 = arith.constant 256 : i32
    %dma_wait3A_124 = tpu.memref_slice %arg16[%dma_wait3A_123] : memref<512xi32, #tpu.memory_space<vmem>> -> memref<128xi32, #tpu.memory_space<vmem>>
    %dma_wait3A_125 = arith.constant 0 : i32
    %dma_wait3A_126 = arith.constant 0 : i32
    %dma_wait3A_127 = tpu.memref_slice %arg11[%dma_wait3A_125, %dma_wait3A_126] : memref<1000x64xf32, #tpu.memory_space<hbm>> -> memref<1000x64xf32, #tpu.memory_space<hbm>>
    tpu.wait_indirect_dma semaphore(%arg32 : memref<!tpu.dma_semaphore, #tpu.memory_space<semaphore_mem>>) src(%dma_wait3A_127 : memref<1000x64xf32, #tpu.memory_space<hbm>>) dst(%arg23 : memref<128x64xf32, #tpu.memory_space<vmem>>)
    %dma_wait3A_128 = arith.constant 256 : i32
    %dma_wait3A_129 = tpu.memref_slice %arg18[%dma_wait3A_128] : memref<512xi32, #tpu.memory_space<vmem>> -> memref<128xi32, #tpu.memory_space<vmem>>
    %dma_wait3A_130 = arith.constant 0 : i32
    %dma_wait3A_131 = arith.constant 0 : i32
    %dma_wait3A_132 = tpu.memref_slice %arg12[%dma_wait3A_130, %dma_wait3A_131] : memref<1000x64xf32, #tpu.memory_space<hbm>> -> memref<1000x64xf32, #tpu.memory_space<hbm>>
    tpu.wait_indirect_dma semaphore(%arg32 : memref<!tpu.dma_semaphore, #tpu.memory_space<semaphore_mem>>) src(%dma_wait3A_132 : memref<1000x64xf32, #tpu.memory_space<hbm>>) dst(%arg24 : memref<128x64xf32, #tpu.memory_space<vmem>>)
    %dma_wait3A_133 = arith.constant 256 : i32
    %dma_wait3A_134 = tpu.memref_slice %arg17[%dma_wait3A_133] : memref<512xi32, #tpu.memory_space<vmem>> -> memref<128xi32, #tpu.memory_space<vmem>>
    %dma_wait3A_135 = arith.constant 0 : i32
    %dma_wait3A_136 = arith.constant 0 : i32
    %dma_wait3A_137 = tpu.memref_slice %arg10[%dma_wait3A_135, %dma_wait3A_136] : memref<1000000x64xf32, #tpu.memory_space<hbm>> -> memref<1000000x64xf32, #tpu.memory_space<hbm>>
    tpu.wait_indirect_dma semaphore(%arg32 : memref<!tpu.dma_semaphore, #tpu.memory_space<semaphore_mem>>) src(%dma_wait3A_137 : memref<1000000x64xf32, #tpu.memory_space<hbm>>) dst(%arg25 : memref<128x64xf32, #tpu.memory_space<vmem>>)
    %dma_start3A_138 = arith.constant 384 : i32
    %dma_start3A_139 = tpu.memref_slice %arg15[%dma_start3A_138] : memref<512xi32, #tpu.memory_space<vmem>> -> memref<128xi32, #tpu.memory_space<vmem>>
    %dma_start3A_140 = arith.constant 0 : i32
    %dma_start3A_141 = arith.constant 0 : i32
    %dma_start3A_142 = tpu.memref_slice %arg10[%dma_start3A_140, %dma_start3A_141] : memref<1000000x64xf32, #tpu.memory_space<hbm>> -> memref<1000000x64xf32, #tpu.memory_space<hbm>>
    tpu.enqueue_indirect_dma source(%dma_start3A_142 : memref<1000000x64xf32, #tpu.memory_space<hbm>>) target(%arg26 : memref<128x64xf32, #tpu.memory_space<vmem>>) offsets(%dma_start3A_139 : memref<128xi32, #tpu.memory_space<vmem>>) semaphore(%arg33 : memref<!tpu.dma_semaphore, #tpu.memory_space<semaphore_mem>>)
    %dma_start3A_143 = arith.constant 384 : i32
    %dma_start3A_144 = tpu.memref_slice %arg16[%dma_start3A_143] : memref<512xi32, #tpu.memory_space<vmem>> -> memref<128xi32, #tpu.memory_space<vmem>>
    %dma_start3A_145 = arith.constant 0 : i32
    %dma_start3A_146 = arith.constant 0 : i32
    %dma_start3A_147 = tpu.memref_slice %arg11[%dma_start3A_145, %dma_start3A_146] : memref<1000x64xf32, #tpu.memory_space<hbm>> -> memref<1000x64xf32, #tpu.memory_space<hbm>>
    tpu.enqueue_indirect_dma source(%dma_start3A_147 : memref<1000x64xf32, #tpu.memory_space<hbm>>) target(%arg27 : memref<128x64xf32, #tpu.memory_space<vmem>>) offsets(%dma_start3A_144 : memref<128xi32, #tpu.memory_space<vmem>>) semaphore(%arg33 : memref<!tpu.dma_semaphore, #tpu.memory_space<semaphore_mem>>)
    %dma_start3A_148 = arith.constant 384 : i32
    %dma_start3A_149 = tpu.memref_slice %arg18[%dma_start3A_148] : memref<512xi32, #tpu.memory_space<vmem>> -> memref<128xi32, #tpu.memory_space<vmem>>
    %dma_start3A_150 = arith.constant 0 : i32
    %dma_start3A_151 = arith.constant 0 : i32
    %dma_start3A_152 = tpu.memref_slice %arg12[%dma_start3A_150, %dma_start3A_151] : memref<1000x64xf32, #tpu.memory_space<hbm>> -> memref<1000x64xf32, #tpu.memory_space<hbm>>
    tpu.enqueue_indirect_dma source(%dma_start3A_152 : memref<1000x64xf32, #tpu.memory_space<hbm>>) target(%arg28 : memref<128x64xf32, #tpu.memory_space<vmem>>) offsets(%dma_start3A_149 : memref<128xi32, #tpu.memory_space<vmem>>) semaphore(%arg33 : memref<!tpu.dma_semaphore, #tpu.memory_space<semaphore_mem>>)
    %dma_start3A_153 = arith.constant 384 : i32
    %dma_start3A_154 = tpu.memref_slice %arg17[%dma_start3A_153] : memref<512xi32, #tpu.memory_space<vmem>> -> memref<128xi32, #tpu.memory_space<vmem>>
    %dma_start3A_155 = arith.constant 0 : i32
    %dma_start3A_156 = arith.constant 0 : i32
    %dma_start3A_157 = tpu.memref_slice %arg10[%dma_start3A_155, %dma_start3A_156] : memref<1000000x64xf32, #tpu.memory_space<hbm>> -> memref<1000000x64xf32, #tpu.memory_space<hbm>>
    tpu.enqueue_indirect_dma source(%dma_start3A_157 : memref<1000000x64xf32, #tpu.memory_space<hbm>>) target(%arg29 : memref<128x64xf32, #tpu.memory_space<vmem>>) offsets(%dma_start3A_154 : memref<128xi32, #tpu.memory_space<vmem>>) semaphore(%arg33 : memref<!tpu.dma_semaphore, #tpu.memory_space<semaphore_mem>>)
    %iota3A_158 = tpu.iota {dimensions = array<i32: 0>} : vector<16xi32>
    %eq3A_159 = arith.constant 15 : i32
    %eq3A_160 = vector.broadcast %eq3A_159 : i32 to vector<16xi32>
    %eq3A_161 = arith.cmpi eq, %iota3A_158, %eq3A_160 : vector<16xi32>
    %scan3A_162 = arith.constant 0 : i32
    %scan3A_163 = arith.constant 0 : i32
    %scan3A_164 = arith.constant 128 : i32
    %scan3A_165 = arith.addi %scan3A_163, %scan3A_164 : i32
    %scan3A_166 = arith.constant 1 : i32
    scf.for %scan3A_398 = %scan3A_163 to %scan3A_165 step %scan3A_166  : i32 {
      %broadcast_in_dim3A = arith.constant 0.000000e+00 : f32
      %broadcast_in_dim3A_399 = vector.broadcast %broadcast_in_dim3A : f32 to vector<16xf32>
      %get3A = arith.index_cast %scan3A_398 : i32 to index
      %get3A_400 = arith.constant 0 : index
      %get3A_401 = tpu.vector_load %arg22[%get3A, %get3A_400] {strides = array<i32>} : memref<128x64xf32, #tpu.memory_space<vmem>>, vector<16xf32>,
      %get3A_402 = arith.index_cast %scan3A_398 : i32 to index
      %get3A_403 = arith.constant 0 : index
      %get3A_404 = tpu.vector_load %arg23[%get3A_402, %get3A_403] {strides = array<i32>} : memref<128x64xf32, #tpu.memory_space<vmem>>, vector<16xf32>,
      %add3A_405 = arith.addf %get3A_401, %get3A_404 : vector<16xf32>
      %get3A_406 = arith.index_cast %scan3A_398 : i32 to index
      %get3A_407 = arith.constant 0 : index
      %get3A_408 = tpu.vector_load %arg24[%get3A_406, %get3A_407] {strides = array<i32>} : memref<128x64xf32, #tpu.memory_space<vmem>>, vector<16xf32>,
      %add3A_409 = arith.addf %add3A_405, %get3A_408 : vector<16xf32>
      %get3A_410 = arith.index_cast %scan3A_398 : i32 to index
      %get3A_411 = arith.constant 0 : index
      %get3A_412 = tpu.vector_load %arg25[%get3A_410, %get3A_411] {strides = array<i32>} : memref<128x64xf32, #tpu.memory_space<vmem>>, vector<16xf32>,
      %sub3A = arith.subf %add3A_409, %get3A_412 : vector<16xf32>
      %abs3A = math.absf %sub3A : vector<16xf32>
      %add3A_413 = arith.addf %broadcast_in_dim3A_399, %abs3A : vector<16xf32>
      %get3A_414 = arith.index_cast %scan3A_398 : i32 to index
      %get3A_415 = arith.constant 16 : index
      %get3A_416 = tpu.vector_load %arg22[%get3A_414, %get3A_415] {strides = array<i32>} : memref<128x64xf32, #tpu.memory_space<vmem>>, vector<16xf32>,
      %get3A_417 = arith.index_cast %scan3A_398 : i32 to index
      %get3A_418 = arith.constant 16 : index
      %get3A_419 = tpu.vector_load %arg23[%get3A_417, %get3A_418] {strides = array<i32>} : memref<128x64xf32, #tpu.memory_space<vmem>>, vector<16xf32>,
      %add3A_420 = arith.addf %get3A_416, %get3A_419 : vector<16xf32>
      %get3A_421 = arith.index_cast %scan3A_398 : i32 to index
      %get3A_422 = arith.constant 16 : index
      %get3A_423 = tpu.vector_load %arg24[%get3A_421, %get3A_422] {strides = array<i32>} : memref<128x64xf32, #tpu.memory_space<vmem>>, vector<16xf32>,
      %add3A_424 = arith.addf %add3A_420, %get3A_423 : vector<16xf32>
      %get3A_425 = arith.index_cast %scan3A_398 : i32 to index
      %get3A_426 = arith.constant 16 : index
      %get3A_427 = tpu.vector_load %arg25[%get3A_425, %get3A_426] {strides = array<i32>} : memref<128x64xf32, #tpu.memory_space<vmem>>, vector<16xf32>,
      %sub3A_428 = arith.subf %add3A_424, %get3A_427 : vector<16xf32>
      %abs3A_429 = math.absf %sub3A_428 : vector<16xf32>
      %add3A_430 = arith.addf %add3A_413, %abs3A_429 : vector<16xf32>
      %get3A_431 = arith.index_cast %scan3A_398 : i32 to index
      %get3A_432 = arith.constant 32 : index
      %get3A_433 = tpu.vector_load %arg22[%get3A_431, %get3A_432] {strides = array<i32>} : memref<128x64xf32, #tpu.memory_space<vmem>>, vector<16xf32>,
      %get3A_434 = arith.index_cast %scan3A_398 : i32 to index
      %get3A_435 = arith.constant 32 : index
      %get3A_436 = tpu.vector_load %arg23[%get3A_434, %get3A_435] {strides = array<i32>} : memref<128x64xf32, #tpu.memory_space<vmem>>, vector<16xf32>,
      %add3A_437 = arith.addf %get3A_433, %get3A_436 : vector<16xf32>
      %get3A_438 = arith.index_cast %scan3A_398 : i32 to index
      %get3A_439 = arith.constant 32 : index
      %get3A_440 = tpu.vector_load %arg24[%get3A_438, %get3A_439] {strides = array<i32>} : memref<128x64xf32, #tpu.memory_space<vmem>>, vector<16xf32>,
      %add3A_441 = arith.addf %add3A_437, %get3A_440 : vector<16xf32>
      %get3A_442 = arith.index_cast %scan3A_398 : i32 to index
      %get3A_443 = arith.constant 32 : index
      %get3A_444 = tpu.vector_load %arg25[%get3A_442, %get3A_443] {strides = array<i32>} : memref<128x64xf32, #tpu.memory_space<vmem>>, vector<16xf32>,
      %sub3A_445 = arith.subf %add3A_441, %get3A_444 : vector<16xf32>
      %abs3A_446 = math.absf %sub3A_445 : vector<16xf32>
      %add3A_447 = arith.addf %add3A_430, %abs3A_446 : vector<16xf32>
      %get3A_448 = arith.index_cast %scan3A_398 : i32 to index
      %get3A_449 = arith.constant 48 : index
      %get3A_450 = tpu.vector_load %arg22[%get3A_448, %get3A_449] {strides = array<i32>} : memref<128x64xf32, #tpu.memory_space<vmem>>, vector<16xf32>,
      %get3A_451 = arith.index_cast %scan3A_398 : i32 to index
      %get3A_452 = arith.constant 48 : index
      %get3A_453 = tpu.vector_load %arg23[%get3A_451, %get3A_452] {strides = array<i32>} : memref<128x64xf32, #tpu.memory_space<vmem>>, vector<16xf32>,
      %add3A_454 = arith.addf %get3A_450, %get3A_453 : vector<16xf32>
      %get3A_455 = arith.index_cast %scan3A_398 : i32 to index
      %get3A_456 = arith.constant 48 : index
      %get3A_457 = tpu.vector_load %arg24[%get3A_455, %get3A_456] {strides = array<i32>} : memref<128x64xf32, #tpu.memory_space<vmem>>, vector<16xf32>,
      %add3A_458 = arith.addf %add3A_454, %get3A_457 : vector<16xf32>
      %get3A_459 = arith.index_cast %scan3A_398 : i32 to index
      %get3A_460 = arith.constant 48 : index
      %get3A_461 = tpu.vector_load %arg25[%get3A_459, %get3A_460] {strides = array<i32>} : memref<128x64xf32, #tpu.memory_space<vmem>>, vector<16xf32>,
      %sub3A_462 = arith.subf %add3A_458, %get3A_461 : vector<16xf32>
      %abs3A_463 = math.absf %sub3A_462 : vector<16xf32>
      %add3A_464 = arith.addf %add3A_447, %abs3A_463 : vector<16xf32>
      %broadcast_in_dim3A_465 = arith.constant true
      %broadcast_in_dim3A_466 = vector.broadcast %broadcast_in_dim3A_465 : i1 to vector<16xi1>
      %masked_cumsum3A = tpu.scan <sum>, %add3A_464 masked %broadcast_in_dim3A_466 : vector<16xf32>, vector<16xi1> -> vector<16xf32>
      %add3A_467 = arith.constant 256 : i32
      %add3A_468 = arith.addi %add3A_467, %scan3A_398 : i32
      %broadcast_in_dim3A_469 = vector.broadcast %add3A_468 : i32 to vector<16xi32>
      tpu.vector_store_idx %arg30[%broadcast_in_dim3A_469], %masked_cumsum3A masked %eq3A_161 : memref<512xf32, #tpu.memory_space<vmem>>[vector<16xi32>], vector<16xf32>, vector<16xi1>
    }
    %scan3A_167 = arith.constant 128 : i32
    %dma_wait3A_168 = arith.constant 384 : i32
    %dma_wait3A_169 = tpu.memref_slice %arg15[%dma_wait3A_168] : memref<512xi32, #tpu.memory_space<vmem>> -> memref<128xi32, #tpu.memory_space<vmem>>
    %dma_wait3A_170 = arith.constant 0 : i32
    %dma_wait3A_171 = arith.constant 0 : i32
    %dma_wait3A_172 = tpu.memref_slice %arg10[%dma_wait3A_170, %dma_wait3A_171] : memref<1000000x64xf32, #tpu.memory_space<hbm>> -> memref<1000000x64xf32, #tpu.memory_space<hbm>>
    tpu.wait_indirect_dma semaphore(%arg33 : memref<!tpu.dma_semaphore, #tpu.memory_space<semaphore_mem>>) src(%dma_wait3A_172 : memref<1000000x64xf32, #tpu.memory_space<hbm>>) dst(%arg26 : memref<128x64xf32, #tpu.memory_space<vmem>>)
    %dma_wait3A_173 = arith.constant 384 : i32
    %dma_wait3A_174 = tpu.memref_slice %arg16[%dma_wait3A_173] : memref<512xi32, #tpu.memory_space<vmem>> -> memref<128xi32, #tpu.memory_space<vmem>>
    %dma_wait3A_175 = arith.constant 0 : i32
    %dma_wait3A_176 = arith.constant 0 : i32
    %dma_wait3A_177 = tpu.memref_slice %arg11[%dma_wait3A_175, %dma_wait3A_176] : memref<1000x64xf32, #tpu.memory_space<hbm>> -> memref<1000x64xf32, #tpu.memory_space<hbm>>
    tpu.wait_indirect_dma semaphore(%arg33 : memref<!tpu.dma_semaphore, #tpu.memory_space<semaphore_mem>>) src(%dma_wait3A_177 : memref<1000x64xf32, #tpu.memory_space<hbm>>) dst(%arg27 : memref<128x64xf32, #tpu.memory_space<vmem>>)
    %dma_wait3A_178 = arith.constant 384 : i32
    %dma_wait3A_179 = tpu.memref_slice %arg18[%dma_wait3A_178] : memref<512xi32, #tpu.memory_space<vmem>> -> memref<128xi32, #tpu.memory_space<vmem>>
    %dma_wait3A_180 = arith.constant 0 : i32
    %dma_wait3A_181 = arith.constant 0 : i32
    %dma_wait3A_182 = tpu.memref_slice %arg12[%dma_wait3A_180, %dma_wait3A_181] : memref<1000x64xf32, #tpu.memory_space<hbm>> -> memref<1000x64xf32, #tpu.memory_space<hbm>>
    tpu.wait_indirect_dma semaphore(%arg33 : memref<!tpu.dma_semaphore, #tpu.memory_space<semaphore_mem>>) src(%dma_wait3A_182 : memref<1000x64xf32, #tpu.memory_space<hbm>>) dst(%arg28 : memref<128x64xf32, #tpu.memory_space<vmem>>)
    %dma_wait3A_183 = arith.constant 384 : i32
    %dma_wait3A_184 = tpu.memref_slice %arg17[%dma_wait3A_183] : memref<512xi32, #tpu.memory_space<vmem>> -> memref<128xi32, #tpu.memory_space<vmem>>
    %dma_wait3A_185 = arith.constant 0 : i32
    %dma_wait3A_186 = arith.constant 0 : i32
    %dma_wait3A_187 = tpu.memref_slice %arg10[%dma_wait3A_185, %dma_wait3A_186] : memref<1000000x64xf32, #tpu.memory_space<hbm>> -> memref<1000000x64xf32, #tpu.memory_space<hbm>>
    tpu.wait_indirect_dma semaphore(%arg33 : memref<!tpu.dma_semaphore, #tpu.memory_space<semaphore_mem>>) src(%dma_wait3A_187 : memref<1000000x64xf32, #tpu.memory_space<hbm>>) dst(%arg29 : memref<128x64xf32, #tpu.memory_space<vmem>>)
    %dma_start3A_188 = arith.constant 0 : i32
    %dma_start3A_189 = tpu.memref_slice %arg19[%dma_start3A_188] : memref<512xi32, #tpu.memory_space<vmem>> -> memref<128xi32, #tpu.memory_space<vmem>>
    %dma_start3A_190 = arith.constant 0 : i32
    %dma_start3A_191 = arith.constant 0 : i32
    %dma_start3A_192 = tpu.memref_slice %arg10[%dma_start3A_190, %dma_start3A_191] : memref<1000000x64xf32, #tpu.memory_space<hbm>> -> memref<1000000x64xf32, #tpu.memory_space<hbm>>
    tpu.enqueue_indirect_dma source(%dma_start3A_192 : memref<1000000x64xf32, #tpu.memory_space<hbm>>) target(%arg22 : memref<128x64xf32, #tpu.memory_space<vmem>>) offsets(%dma_start3A_189 : memref<128xi32, #tpu.memory_space<vmem>>) semaphore(%arg32 : memref<!tpu.dma_semaphore, #tpu.memory_space<semaphore_mem>>)
    %dma_start3A_193 = arith.constant 0 : i32
    %dma_start3A_194 = tpu.memref_slice %arg20[%dma_start3A_193] : memref<512xi32, #tpu.memory_space<vmem>> -> memref<128xi32, #tpu.memory_space<vmem>>
    %dma_start3A_195 = arith.constant 0 : i32
    %dma_start3A_196 = arith.constant 0 : i32
    %dma_start3A_197 = tpu.memref_slice %arg11[%dma_start3A_195, %dma_start3A_196] : memref<1000x64xf32, #tpu.memory_space<hbm>> -> memref<1000x64xf32, #tpu.memory_space<hbm>>
    tpu.enqueue_indirect_dma source(%dma_start3A_197 : memref<1000x64xf32, #tpu.memory_space<hbm>>) target(%arg23 : memref<128x64xf32, #tpu.memory_space<vmem>>) offsets(%dma_start3A_194 : memref<128xi32, #tpu.memory_space<vmem>>) semaphore(%arg32 : memref<!tpu.dma_semaphore, #tpu.memory_space<semaphore_mem>>)
    %dma_start3A_198 = arith.constant 0 : i32
    %dma_start3A_199 = tpu.memref_slice %arg18[%dma_start3A_198] : memref<512xi32, #tpu.memory_space<vmem>> -> memref<128xi32, #tpu.memory_space<vmem>>
    %dma_start3A_200 = arith.constant 0 : i32
    %dma_start3A_201 = arith.constant 0 : i32
    %dma_start3A_202 = tpu.memref_slice %arg12[%dma_start3A_200, %dma_start3A_201] : memref<1000x64xf32, #tpu.memory_space<hbm>> -> memref<1000x64xf32, #tpu.memory_space<hbm>>
    tpu.enqueue_indirect_dma source(%dma_start3A_202 : memref<1000x64xf32, #tpu.memory_space<hbm>>) target(%arg24 : memref<128x64xf32, #tpu.memory_space<vmem>>) offsets(%dma_start3A_199 : memref<128xi32, #tpu.memory_space<vmem>>) semaphore(%arg32 : memref<!tpu.dma_semaphore, #tpu.memory_space<semaphore_mem>>)
    %dma_start3A_203 = arith.constant 0 : i32
    %dma_start3A_204 = tpu.memref_slice %arg21[%dma_start3A_203] : memref<512xi32, #tpu.memory_space<vmem>> -> memref<128xi32, #tpu.memory_space<vmem>>
    %dma_start3A_205 = arith.constant 0 : i32
    %dma_start3A_206 = arith.constant 0 : i32
    %dma_start3A_207 = tpu.memref_slice %arg10[%dma_start3A_205, %dma_start3A_206] : memref<1000000x64xf32, #tpu.memory_space<hbm>> -> memref<1000000x64xf32, #tpu.memory_space<hbm>>
    tpu.enqueue_indirect_dma source(%dma_start3A_207 : memref<1000000x64xf32, #tpu.memory_space<hbm>>) target(%arg25 : memref<128x64xf32, #tpu.memory_space<vmem>>) offsets(%dma_start3A_204 : memref<128xi32, #tpu.memory_space<vmem>>) semaphore(%arg32 : memref<!tpu.dma_semaphore, #tpu.memory_space<semaphore_mem>>)
    %iota3A_208 = tpu.iota {dimensions = array<i32: 0>} : vector<16xi32>
    %eq3A_209 = arith.constant 15 : i32
    %eq3A_210 = vector.broadcast %eq3A_209 : i32 to vector<16xi32>
    %eq3A_211 = arith.cmpi eq, %iota3A_208, %eq3A_210 : vector<16xi32>
    %scan3A_212 = arith.constant 0 : i32
    %scan3A_213 = arith.constant 0 : i32
    %scan3A_214 = arith.constant 128 : i32
    %scan3A_215 = arith.addi %scan3A_213, %scan3A_214 : i32
    %scan3A_216 = arith.constant 1 : i32
    scf.for %scan3A_398 = %scan3A_213 to %scan3A_215 step %scan3A_216  : i32 {
      %broadcast_in_dim3A = arith.constant 0.000000e+00 : f32
      %broadcast_in_dim3A_399 = vector.broadcast %broadcast_in_dim3A : f32 to vector<16xf32>
      %get3A = arith.index_cast %scan3A_398 : i32 to index
      %get3A_400 = arith.constant 0 : index
      %get3A_401 = tpu.vector_load %arg26[%get3A, %get3A_400] {strides = array<i32>} : memref<128x64xf32, #tpu.memory_space<vmem>>, vector<16xf32>,
      %get3A_402 = arith.index_cast %scan3A_398 : i32 to index
      %get3A_403 = arith.constant 0 : index
      %get3A_404 = tpu.vector_load %arg27[%get3A_402, %get3A_403] {strides = array<i32>} : memref<128x64xf32, #tpu.memory_space<vmem>>, vector<16xf32>,
      %add3A_405 = arith.addf %get3A_401, %get3A_404 : vector<16xf32>
      %get3A_406 = arith.index_cast %scan3A_398 : i32 to index
      %get3A_407 = arith.constant 0 : index
      %get3A_408 = tpu.vector_load %arg28[%get3A_406, %get3A_407] {strides = array<i32>} : memref<128x64xf32, #tpu.memory_space<vmem>>, vector<16xf32>,
      %add3A_409 = arith.addf %add3A_405, %get3A_408 : vector<16xf32>
      %get3A_410 = arith.index_cast %scan3A_398 : i32 to index
      %get3A_411 = arith.constant 0 : index
      %get3A_412 = tpu.vector_load %arg29[%get3A_410, %get3A_411] {strides = array<i32>} : memref<128x64xf32, #tpu.memory_space<vmem>>, vector<16xf32>,
      %sub3A = arith.subf %add3A_409, %get3A_412 : vector<16xf32>
      %abs3A = math.absf %sub3A : vector<16xf32>
      %add3A_413 = arith.addf %broadcast_in_dim3A_399, %abs3A : vector<16xf32>
      %get3A_414 = arith.index_cast %scan3A_398 : i32 to index
      %get3A_415 = arith.constant 16 : index
      %get3A_416 = tpu.vector_load %arg26[%get3A_414, %get3A_415] {strides = array<i32>} : memref<128x64xf32, #tpu.memory_space<vmem>>, vector<16xf32>,
      %get3A_417 = arith.index_cast %scan3A_398 : i32 to index
      %get3A_418 = arith.constant 16 : index
      %get3A_419 = tpu.vector_load %arg27[%get3A_417, %get3A_418] {strides = array<i32>} : memref<128x64xf32, #tpu.memory_space<vmem>>, vector<16xf32>,
      %add3A_420 = arith.addf %get3A_416, %get3A_419 : vector<16xf32>
      %get3A_421 = arith.index_cast %scan3A_398 : i32 to index
      %get3A_422 = arith.constant 16 : index
      %get3A_423 = tpu.vector_load %arg28[%get3A_421, %get3A_422] {strides = array<i32>} : memref<128x64xf32, #tpu.memory_space<vmem>>, vector<16xf32>,
      %add3A_424 = arith.addf %add3A_420, %get3A_423 : vector<16xf32>
      %get3A_425 = arith.index_cast %scan3A_398 : i32 to index
      %get3A_426 = arith.constant 16 : index
      %get3A_427 = tpu.vector_load %arg29[%get3A_425, %get3A_426] {strides = array<i32>} : memref<128x64xf32, #tpu.memory_space<vmem>>, vector<16xf32>,
      %sub3A_428 = arith.subf %add3A_424, %get3A_427 : vector<16xf32>
      %abs3A_429 = math.absf %sub3A_428 : vector<16xf32>
      %add3A_430 = arith.addf %add3A_413, %abs3A_429 : vector<16xf32>
      %get3A_431 = arith.index_cast %scan3A_398 : i32 to index
      %get3A_432 = arith.constant 32 : index
      %get3A_433 = tpu.vector_load %arg26[%get3A_431, %get3A_432] {strides = array<i32>} : memref<128x64xf32, #tpu.memory_space<vmem>>, vector<16xf32>,
      %get3A_434 = arith.index_cast %scan3A_398 : i32 to index
      %get3A_435 = arith.constant 32 : index
      %get3A_436 = tpu.vector_load %arg27[%get3A_434, %get3A_435] {strides = array<i32>} : memref<128x64xf32, #tpu.memory_space<vmem>>, vector<16xf32>,
      %add3A_437 = arith.addf %get3A_433, %get3A_436 : vector<16xf32>
      %get3A_438 = arith.index_cast %scan3A_398 : i32 to index
      %get3A_439 = arith.constant 32 : index
      %get3A_440 = tpu.vector_load %arg28[%get3A_438, %get3A_439] {strides = array<i32>} : memref<128x64xf32, #tpu.memory_space<vmem>>, vector<16xf32>,
      %add3A_441 = arith.addf %add3A_437, %get3A_440 : vector<16xf32>
      %get3A_442 = arith.index_cast %scan3A_398 : i32 to index
      %get3A_443 = arith.constant 32 : index
      %get3A_444 = tpu.vector_load %arg29[%get3A_442, %get3A_443] {strides = array<i32>} : memref<128x64xf32, #tpu.memory_space<vmem>>, vector<16xf32>,
      %sub3A_445 = arith.subf %add3A_441, %get3A_444 : vector<16xf32>
      %abs3A_446 = math.absf %sub3A_445 : vector<16xf32>
      %add3A_447 = arith.addf %add3A_430, %abs3A_446 : vector<16xf32>
      %get3A_448 = arith.index_cast %scan3A_398 : i32 to index
      %get3A_449 = arith.constant 48 : index
      %get3A_450 = tpu.vector_load %arg26[%get3A_448, %get3A_449] {strides = array<i32>} : memref<128x64xf32, #tpu.memory_space<vmem>>, vector<16xf32>,
      %get3A_451 = arith.index_cast %scan3A_398 : i32 to index
      %get3A_452 = arith.constant 48 : index
      %get3A_453 = tpu.vector_load %arg27[%get3A_451, %get3A_452] {strides = array<i32>} : memref<128x64xf32, #tpu.memory_space<vmem>>, vector<16xf32>,
      %add3A_454 = arith.addf %get3A_450, %get3A_453 : vector<16xf32>
      %get3A_455 = arith.index_cast %scan3A_398 : i32 to index
      %get3A_456 = arith.constant 48 : index
      %get3A_457 = tpu.vector_load %arg28[%get3A_455, %get3A_456] {strides = array<i32>} : memref<128x64xf32, #tpu.memory_space<vmem>>, vector<16xf32>,
      %add3A_458 = arith.addf %add3A_454, %get3A_457 : vector<16xf32>
      %get3A_459 = arith.index_cast %scan3A_398 : i32 to index
      %get3A_460 = arith.constant 48 : index
      %get3A_461 = tpu.vector_load %arg29[%get3A_459, %get3A_460] {strides = array<i32>} : memref<128x64xf32, #tpu.memory_space<vmem>>, vector<16xf32>,
      %sub3A_462 = arith.subf %add3A_458, %get3A_461 : vector<16xf32>
      %abs3A_463 = math.absf %sub3A_462 : vector<16xf32>
      %add3A_464 = arith.addf %add3A_447, %abs3A_463 : vector<16xf32>
      %broadcast_in_dim3A_465 = arith.constant true
      %broadcast_in_dim3A_466 = vector.broadcast %broadcast_in_dim3A_465 : i1 to vector<16xi1>
      %masked_cumsum3A = tpu.scan <sum>, %add3A_464 masked %broadcast_in_dim3A_466 : vector<16xf32>, vector<16xi1> -> vector<16xf32>
      %add3A_467 = arith.constant 384 : i32
      %add3A_468 = arith.addi %add3A_467, %scan3A_398 : i32
      %broadcast_in_dim3A_469 = vector.broadcast %add3A_468 : i32 to vector<16xi32>
      tpu.vector_store_idx %arg30[%broadcast_in_dim3A_469], %masked_cumsum3A masked %eq3A_211 : memref<512xf32, #tpu.memory_space<vmem>>[vector<16xi32>], vector<16xf32>, vector<16xi1>
    }
    %scan3A_217 = arith.constant 128 : i32
    %dma_wait3A_218 = arith.constant 0 : i32
    %dma_wait3A_219 = tpu.memref_slice %arg19[%dma_wait3A_218] : memref<512xi32, #tpu.memory_space<vmem>> -> memref<128xi32, #tpu.memory_space<vmem>>
    %dma_wait3A_220 = arith.constant 0 : i32
    %dma_wait3A_221 = arith.constant 0 : i32
    %dma_wait3A_222 = tpu.memref_slice %arg10[%dma_wait3A_220, %dma_wait3A_221] : memref<1000000x64xf32, #tpu.memory_space<hbm>> -> memref<1000000x64xf32, #tpu.memory_space<hbm>>
    tpu.wait_indirect_dma semaphore(%arg32 : memref<!tpu.dma_semaphore, #tpu.memory_space<semaphore_mem>>) src(%dma_wait3A_222 : memref<1000000x64xf32, #tpu.memory_space<hbm>>) dst(%arg22 : memref<128x64xf32, #tpu.memory_space<vmem>>)
    %dma_wait3A_223 = arith.constant 0 : i32
    %dma_wait3A_224 = tpu.memref_slice %arg20[%dma_wait3A_223] : memref<512xi32, #tpu.memory_space<vmem>> -> memref<128xi32, #tpu.memory_space<vmem>>
    %dma_wait3A_225 = arith.constant 0 : i32
    %dma_wait3A_226 = arith.constant 0 : i32
    %dma_wait3A_227 = tpu.memref_slice %arg11[%dma_wait3A_225, %dma_wait3A_226] : memref<1000x64xf32, #tpu.memory_space<hbm>> -> memref<1000x64xf32, #tpu.memory_space<hbm>>
    tpu.wait_indirect_dma semaphore(%arg32 : memref<!tpu.dma_semaphore, #tpu.memory_space<semaphore_mem>>) src(%dma_wait3A_227 : memref<1000x64xf32, #tpu.memory_space<hbm>>) dst(%arg23 : memref<128x64xf32, #tpu.memory_space<vmem>>)
    %dma_wait3A_228 = arith.constant 0 : i32
    %dma_wait3A_229 = tpu.memref_slice %arg18[%dma_wait3A_228] : memref<512xi32, #tpu.memory_space<vmem>> -> memref<128xi32, #tpu.memory_space<vmem>>
    %dma_wait3A_230 = arith.constant 0 : i32
    %dma_wait3A_231 = arith.constant 0 : i32
    %dma_wait3A_232 = tpu.memref_slice %arg12[%dma_wait3A_230, %dma_wait3A_231] : memref<1000x64xf32, #tpu.memory_space<hbm>> -> memref<1000x64xf32, #tpu.memory_space<hbm>>
    tpu.wait_indirect_dma semaphore(%arg32 : memref<!tpu.dma_semaphore, #tpu.memory_space<semaphore_mem>>) src(%dma_wait3A_232 : memref<1000x64xf32, #tpu.memory_space<hbm>>) dst(%arg24 : memref<128x64xf32, #tpu.memory_space<vmem>>)
    %dma_wait3A_233 = arith.constant 0 : i32
    %dma_wait3A_234 = tpu.memref_slice %arg21[%dma_wait3A_233] : memref<512xi32, #tpu.memory_space<vmem>> -> memref<128xi32, #tpu.memory_space<vmem>>
    %dma_wait3A_235 = arith.constant 0 : i32
    %dma_wait3A_236 = arith.constant 0 : i32
    %dma_wait3A_237 = tpu.memref_slice %arg10[%dma_wait3A_235, %dma_wait3A_236] : memref<1000000x64xf32, #tpu.memory_space<hbm>> -> memref<1000000x64xf32, #tpu.memory_space<hbm>>
    tpu.wait_indirect_dma semaphore(%arg32 : memref<!tpu.dma_semaphore, #tpu.memory_space<semaphore_mem>>) src(%dma_wait3A_237 : memref<1000000x64xf32, #tpu.memory_space<hbm>>) dst(%arg25 : memref<128x64xf32, #tpu.memory_space<vmem>>)
    %dma_start3A_238 = arith.constant 128 : i32
    %dma_start3A_239 = tpu.memref_slice %arg19[%dma_start3A_238] : memref<512xi32, #tpu.memory_space<vmem>> -> memref<128xi32, #tpu.memory_space<vmem>>
    %dma_start3A_240 = arith.constant 0 : i32
    %dma_start3A_241 = arith.constant 0 : i32
    %dma_start3A_242 = tpu.memref_slice %arg10[%dma_start3A_240, %dma_start3A_241] : memref<1000000x64xf32, #tpu.memory_space<hbm>> -> memref<1000000x64xf32, #tpu.memory_space<hbm>>
    tpu.enqueue_indirect_dma source(%dma_start3A_242 : memref<1000000x64xf32, #tpu.memory_space<hbm>>) target(%arg26 : memref<128x64xf32, #tpu.memory_space<vmem>>) offsets(%dma_start3A_239 : memref<128xi32, #tpu.memory_space<vmem>>) semaphore(%arg33 : memref<!tpu.dma_semaphore, #tpu.memory_space<semaphore_mem>>)
    %dma_start3A_243 = arith.constant 128 : i32
    %dma_start3A_244 = tpu.memref_slice %arg20[%dma_start3A_243] : memref<512xi32, #tpu.memory_space<vmem>> -> memref<128xi32, #tpu.memory_space<vmem>>
    %dma_start3A_245 = arith.constant 0 : i32
    %dma_start3A_246 = arith.constant 0 : i32
    %dma_start3A_247 = tpu.memref_slice %arg11[%dma_start3A_245, %dma_start3A_246] : memref<1000x64xf32, #tpu.memory_space<hbm>> -> memref<1000x64xf32, #tpu.memory_space<hbm>>
    tpu.enqueue_indirect_dma source(%dma_start3A_247 : memref<1000x64xf32, #tpu.memory_space<hbm>>) target(%arg27 : memref<128x64xf32, #tpu.memory_space<vmem>>) offsets(%dma_start3A_244 : memref<128xi32, #tpu.memory_space<vmem>>) semaphore(%arg33 : memref<!tpu.dma_semaphore, #tpu.memory_space<semaphore_mem>>)
    %dma_start3A_248 = arith.constant 128 : i32
    %dma_start3A_249 = tpu.memref_slice %arg18[%dma_start3A_248] : memref<512xi32, #tpu.memory_space<vmem>> -> memref<128xi32, #tpu.memory_space<vmem>>
    %dma_start3A_250 = arith.constant 0 : i32
    %dma_start3A_251 = arith.constant 0 : i32
    %dma_start3A_252 = tpu.memref_slice %arg12[%dma_start3A_250, %dma_start3A_251] : memref<1000x64xf32, #tpu.memory_space<hbm>> -> memref<1000x64xf32, #tpu.memory_space<hbm>>
    tpu.enqueue_indirect_dma source(%dma_start3A_252 : memref<1000x64xf32, #tpu.memory_space<hbm>>) target(%arg28 : memref<128x64xf32, #tpu.memory_space<vmem>>) offsets(%dma_start3A_249 : memref<128xi32, #tpu.memory_space<vmem>>) semaphore(%arg33 : memref<!tpu.dma_semaphore, #tpu.memory_space<semaphore_mem>>)
    %dma_start3A_253 = arith.constant 128 : i32
    %dma_start3A_254 = tpu.memref_slice %arg21[%dma_start3A_253] : memref<512xi32, #tpu.memory_space<vmem>> -> memref<128xi32, #tpu.memory_space<vmem>>
    %dma_start3A_255 = arith.constant 0 : i32
    %dma_start3A_256 = arith.constant 0 : i32
    %dma_start3A_257 = tpu.memref_slice %arg10[%dma_start3A_255, %dma_start3A_256] : memref<1000000x64xf32, #tpu.memory_space<hbm>> -> memref<1000000x64xf32, #tpu.memory_space<hbm>>
    tpu.enqueue_indirect_dma source(%dma_start3A_257 : memref<1000000x64xf32, #tpu.memory_space<hbm>>) target(%arg29 : memref<128x64xf32, #tpu.memory_space<vmem>>) offsets(%dma_start3A_254 : memref<128xi32, #tpu.memory_space<vmem>>) semaphore(%arg33 : memref<!tpu.dma_semaphore, #tpu.memory_space<semaphore_mem>>)
    %iota3A_258 = tpu.iota {dimensions = array<i32: 0>} : vector<16xi32>
    %eq3A_259 = arith.constant 15 : i32
    %eq3A_260 = vector.broadcast %eq3A_259 : i32 to vector<16xi32>
    %eq3A_261 = arith.cmpi eq, %iota3A_258, %eq3A_260 : vector<16xi32>
    %scan3A_262 = arith.constant 0 : i32
    %scan3A_263 = arith.constant 0 : i32
    %scan3A_264 = arith.constant 128 : i32
    %scan3A_265 = arith.addi %scan3A_263, %scan3A_264 : i32
    %scan3A_266 = arith.constant 1 : i32
    scf.for %scan3A_398 = %scan3A_263 to %scan3A_265 step %scan3A_266  : i32 {
      %broadcast_in_dim3A = arith.constant 0.000000e+00 : f32
      %broadcast_in_dim3A_399 = vector.broadcast %broadcast_in_dim3A : f32 to vector<16xf32>
      %get3A = arith.index_cast %scan3A_398 : i32 to index
      %get3A_400 = arith.constant 0 : index
      %get3A_401 = tpu.vector_load %arg22[%get3A, %get3A_400] {strides = array<i32>} : memref<128x64xf32, #tpu.memory_space<vmem>>, vector<16xf32>,
      %get3A_402 = arith.index_cast %scan3A_398 : i32 to index
      %get3A_403 = arith.constant 0 : index
      %get3A_404 = tpu.vector_load %arg23[%get3A_402, %get3A_403] {strides = array<i32>} : memref<128x64xf32, #tpu.memory_space<vmem>>, vector<16xf32>,
      %add3A_405 = arith.addf %get3A_401, %get3A_404 : vector<16xf32>
      %get3A_406 = arith.index_cast %scan3A_398 : i32 to index
      %get3A_407 = arith.constant 0 : index
      %get3A_408 = tpu.vector_load %arg24[%get3A_406, %get3A_407] {strides = array<i32>} : memref<128x64xf32, #tpu.memory_space<vmem>>, vector<16xf32>,
      %add3A_409 = arith.addf %add3A_405, %get3A_408 : vector<16xf32>
      %get3A_410 = arith.index_cast %scan3A_398 : i32 to index
      %get3A_411 = arith.constant 0 : index
      %get3A_412 = tpu.vector_load %arg25[%get3A_410, %get3A_411] {strides = array<i32>} : memref<128x64xf32, #tpu.memory_space<vmem>>, vector<16xf32>,
      %sub3A = arith.subf %add3A_409, %get3A_412 : vector<16xf32>
      %abs3A = math.absf %sub3A : vector<16xf32>
      %add3A_413 = arith.addf %broadcast_in_dim3A_399, %abs3A : vector<16xf32>
      %get3A_414 = arith.index_cast %scan3A_398 : i32 to index
      %get3A_415 = arith.constant 16 : index
      %get3A_416 = tpu.vector_load %arg22[%get3A_414, %get3A_415] {strides = array<i32>} : memref<128x64xf32, #tpu.memory_space<vmem>>, vector<16xf32>,
      %get3A_417 = arith.index_cast %scan3A_398 : i32 to index
      %get3A_418 = arith.constant 16 : index
      %get3A_419 = tpu.vector_load %arg23[%get3A_417, %get3A_418] {strides = array<i32>} : memref<128x64xf32, #tpu.memory_space<vmem>>, vector<16xf32>,
      %add3A_420 = arith.addf %get3A_416, %get3A_419 : vector<16xf32>
      %get3A_421 = arith.index_cast %scan3A_398 : i32 to index
      %get3A_422 = arith.constant 16 : index
      %get3A_423 = tpu.vector_load %arg24[%get3A_421, %get3A_422] {strides = array<i32>} : memref<128x64xf32, #tpu.memory_space<vmem>>, vector<16xf32>,
      %add3A_424 = arith.addf %add3A_420, %get3A_423 : vector<16xf32>
      %get3A_425 = arith.index_cast %scan3A_398 : i32 to index
      %get3A_426 = arith.constant 16 : index
      %get3A_427 = tpu.vector_load %arg25[%get3A_425, %get3A_426] {strides = array<i32>} : memref<128x64xf32, #tpu.memory_space<vmem>>, vector<16xf32>,
      %sub3A_428 = arith.subf %add3A_424, %get3A_427 : vector<16xf32>
      %abs3A_429 = math.absf %sub3A_428 : vector<16xf32>
      %add3A_430 = arith.addf %add3A_413, %abs3A_429 : vector<16xf32>
      %get3A_431 = arith.index_cast %scan3A_398 : i32 to index
      %get3A_432 = arith.constant 32 : index
      %get3A_433 = tpu.vector_load %arg22[%get3A_431, %get3A_432] {strides = array<i32>} : memref<128x64xf32, #tpu.memory_space<vmem>>, vector<16xf32>,
      %get3A_434 = arith.index_cast %scan3A_398 : i32 to index
      %get3A_435 = arith.constant 32 : index
      %get3A_436 = tpu.vector_load %arg23[%get3A_434, %get3A_435] {strides = array<i32>} : memref<128x64xf32, #tpu.memory_space<vmem>>, vector<16xf32>,
      %add3A_437 = arith.addf %get3A_433, %get3A_436 : vector<16xf32>
      %get3A_438 = arith.index_cast %scan3A_398 : i32 to index
      %get3A_439 = arith.constant 32 : index
      %get3A_440 = tpu.vector_load %arg24[%get3A_438, %get3A_439] {strides = array<i32>} : memref<128x64xf32, #tpu.memory_space<vmem>>, vector<16xf32>,
      %add3A_441 = arith.addf %add3A_437, %get3A_440 : vector<16xf32>
      %get3A_442 = arith.index_cast %scan3A_398 : i32 to index
      %get3A_443 = arith.constant 32 : index
      %get3A_444 = tpu.vector_load %arg25[%get3A_442, %get3A_443] {strides = array<i32>} : memref<128x64xf32, #tpu.memory_space<vmem>>, vector<16xf32>,
      %sub3A_445 = arith.subf %add3A_441, %get3A_444 : vector<16xf32>
      %abs3A_446 = math.absf %sub3A_445 : vector<16xf32>
      %add3A_447 = arith.addf %add3A_430, %abs3A_446 : vector<16xf32>
      %get3A_448 = arith.index_cast %scan3A_398 : i32 to index
      %get3A_449 = arith.constant 48 : index
      %get3A_450 = tpu.vector_load %arg22[%get3A_448, %get3A_449] {strides = array<i32>} : memref<128x64xf32, #tpu.memory_space<vmem>>, vector<16xf32>,
      %get3A_451 = arith.index_cast %scan3A_398 : i32 to index
      %get3A_452 = arith.constant 48 : index
      %get3A_453 = tpu.vector_load %arg23[%get3A_451, %get3A_452] {strides = array<i32>} : memref<128x64xf32, #tpu.memory_space<vmem>>, vector<16xf32>,
      %add3A_454 = arith.addf %get3A_450, %get3A_453 : vector<16xf32>
      %get3A_455 = arith.index_cast %scan3A_398 : i32 to index
      %get3A_456 = arith.constant 48 : index
      %get3A_457 = tpu.vector_load %arg24[%get3A_455, %get3A_456] {strides = array<i32>} : memref<128x64xf32, #tpu.memory_space<vmem>>, vector<16xf32>,
      %add3A_458 = arith.addf %add3A_454, %get3A_457 : vector<16xf32>
      %get3A_459 = arith.index_cast %scan3A_398 : i32 to index
      %get3A_460 = arith.constant 48 : index
      %get3A_461 = tpu.vector_load %arg25[%get3A_459, %get3A_460] {strides = array<i32>} : memref<128x64xf32, #tpu.memory_space<vmem>>, vector<16xf32>,
      %sub3A_462 = arith.subf %add3A_458, %get3A_461 : vector<16xf32>
      %abs3A_463 = math.absf %sub3A_462 : vector<16xf32>
      %add3A_464 = arith.addf %add3A_447, %abs3A_463 : vector<16xf32>
      %broadcast_in_dim3A_465 = arith.constant true
      %broadcast_in_dim3A_466 = vector.broadcast %broadcast_in_dim3A_465 : i1 to vector<16xi1>
      %masked_cumsum3A = tpu.scan <sum>, %add3A_464 masked %broadcast_in_dim3A_466 : vector<16xf32>, vector<16xi1> -> vector<16xf32>
      %add3A_467 = arith.constant 0 : i32
      %add3A_468 = arith.addi %add3A_467, %scan3A_398 : i32
      %broadcast_in_dim3A_469 = vector.broadcast %add3A_468 : i32 to vector<16xi32>
      tpu.vector_store_idx %arg31[%broadcast_in_dim3A_469], %masked_cumsum3A masked %eq3A_261 : memref<512xf32, #tpu.memory_space<vmem>>[vector<16xi32>], vector<16xf32>, vector<16xi1>
    }
    %scan3A_267 = arith.constant 128 : i32
    %dma_wait3A_268 = arith.constant 128 : i32
    %dma_wait3A_269 = tpu.memref_slice %arg19[%dma_wait3A_268] : memref<512xi32, #tpu.memory_space<vmem>> -> memref<128xi32, #tpu.memory_space<vmem>>
    %dma_wait3A_270 = arith.constant 0 : i32
    %dma_wait3A_271 = arith.constant 0 : i32
    %dma_wait3A_272 = tpu.memref_slice %arg10[%dma_wait3A_270, %dma_wait3A_271] : memref<1000000x64xf32, #tpu.memory_space<hbm>> -> memref<1000000x64xf32, #tpu.memory_space<hbm>>
    tpu.wait_indirect_dma semaphore(%arg33 : memref<!tpu.dma_semaphore, #tpu.memory_space<semaphore_mem>>) src(%dma_wait3A_272 : memref<1000000x64xf32, #tpu.memory_space<hbm>>) dst(%arg26 : memref<128x64xf32, #tpu.memory_space<vmem>>)
    %dma_wait3A_273 = arith.constant 128 : i32
    %dma_wait3A_274 = tpu.memref_slice %arg20[%dma_wait3A_273] : memref<512xi32, #tpu.memory_space<vmem>> -> memref<128xi32, #tpu.memory_space<vmem>>
    %dma_wait3A_275 = arith.constant 0 : i32
    %dma_wait3A_276 = arith.constant 0 : i32
    %dma_wait3A_277 = tpu.memref_slice %arg11[%dma_wait3A_275, %dma_wait3A_276] : memref<1000x64xf32, #tpu.memory_space<hbm>> -> memref<1000x64xf32, #tpu.memory_space<hbm>>
    tpu.wait_indirect_dma semaphore(%arg33 : memref<!tpu.dma_semaphore, #tpu.memory_space<semaphore_mem>>) src(%dma_wait3A_277 : memref<1000x64xf32, #tpu.memory_space<hbm>>) dst(%arg27 : memref<128x64xf32, #tpu.memory_space<vmem>>)
    %dma_wait3A_278 = arith.constant 128 : i32
    %dma_wait3A_279 = tpu.memref_slice %arg18[%dma_wait3A_278] : memref<512xi32, #tpu.memory_space<vmem>> -> memref<128xi32, #tpu.memory_space<vmem>>
    %dma_wait3A_280 = arith.constant 0 : i32
    %dma_wait3A_281 = arith.constant 0 : i32
    %dma_wait3A_282 = tpu.memref_slice %arg12[%dma_wait3A_280, %dma_wait3A_281] : memref<1000x64xf32, #tpu.memory_space<hbm>> -> memref<1000x64xf32, #tpu.memory_space<hbm>>
    tpu.wait_indirect_dma semaphore(%arg33 : memref<!tpu.dma_semaphore, #tpu.memory_space<semaphore_mem>>) src(%dma_wait3A_282 : memref<1000x64xf32, #tpu.memory_space<hbm>>) dst(%arg28 : memref<128x64xf32, #tpu.memory_space<vmem>>)
    %dma_wait3A_283 = arith.constant 128 : i32
    %dma_wait3A_284 = tpu.memref_slice %arg21[%dma_wait3A_283] : memref<512xi32, #tpu.memory_space<vmem>> -> memref<128xi32, #tpu.memory_space<vmem>>
    %dma_wait3A_285 = arith.constant 0 : i32
    %dma_wait3A_286 = arith.constant 0 : i32
    %dma_wait3A_287 = tpu.memref_slice %arg10[%dma_wait3A_285, %dma_wait3A_286] : memref<1000000x64xf32, #tpu.memory_space<hbm>> -> memref<1000000x64xf32, #tpu.memory_space<hbm>>
    tpu.wait_indirect_dma semaphore(%arg33 : memref<!tpu.dma_semaphore, #tpu.memory_space<semaphore_mem>>) src(%dma_wait3A_287 : memref<1000000x64xf32, #tpu.memory_space<hbm>>) dst(%arg29 : memref<128x64xf32, #tpu.memory_space<vmem>>)
    %dma_start3A_288 = arith.constant 256 : i32
    %dma_start3A_289 = tpu.memref_slice %arg19[%dma_start3A_288] : memref<512xi32, #tpu.memory_space<vmem>> -> memref<128xi32, #tpu.memory_space<vmem>>
    %dma_start3A_290 = arith.constant 0 : i32
    %dma_start3A_291 = arith.constant 0 : i32
    %dma_start3A_292 = tpu.memref_slice %arg10[%dma_start3A_290, %dma_start3A_291] : memref<1000000x64xf32, #tpu.memory_space<hbm>> -> memref<1000000x64xf32, #tpu.memory_space<hbm>>
    tpu.enqueue_indirect_dma source(%dma_start3A_292 : memref<1000000x64xf32, #tpu.memory_space<hbm>>) target(%arg22 : memref<128x64xf32, #tpu.memory_space<vmem>>) offsets(%dma_start3A_289 : memref<128xi32, #tpu.memory_space<vmem>>) semaphore(%arg32 : memref<!tpu.dma_semaphore, #tpu.memory_space<semaphore_mem>>)
    %dma_start3A_293 = arith.constant 256 : i32
    %dma_start3A_294 = tpu.memref_slice %arg20[%dma_start3A_293] : memref<512xi32, #tpu.memory_space<vmem>> -> memref<128xi32, #tpu.memory_space<vmem>>
    %dma_start3A_295 = arith.constant 0 : i32
    %dma_start3A_296 = arith.constant 0 : i32
    %dma_start3A_297 = tpu.memref_slice %arg11[%dma_start3A_295, %dma_start3A_296] : memref<1000x64xf32, #tpu.memory_space<hbm>> -> memref<1000x64xf32, #tpu.memory_space<hbm>>
    tpu.enqueue_indirect_dma source(%dma_start3A_297 : memref<1000x64xf32, #tpu.memory_space<hbm>>) target(%arg23 : memref<128x64xf32, #tpu.memory_space<vmem>>) offsets(%dma_start3A_294 : memref<128xi32, #tpu.memory_space<vmem>>) semaphore(%arg32 : memref<!tpu.dma_semaphore, #tpu.memory_space<semaphore_mem>>)
    %dma_start3A_298 = arith.constant 256 : i32
    %dma_start3A_299 = tpu.memref_slice %arg18[%dma_start3A_298] : memref<512xi32, #tpu.memory_space<vmem>> -> memref<128xi32, #tpu.memory_space<vmem>>
    %dma_start3A_300 = arith.constant 0 : i32
    %dma_start3A_301 = arith.constant 0 : i32
    %dma_start3A_302 = tpu.memref_slice %arg12[%dma_start3A_300, %dma_start3A_301] : memref<1000x64xf32, #tpu.memory_space<hbm>> -> memref<1000x64xf32, #tpu.memory_space<hbm>>
    tpu.enqueue_indirect_dma source(%dma_start3A_302 : memref<1000x64xf32, #tpu.memory_space<hbm>>) target(%arg24 : memref<128x64xf32, #tpu.memory_space<vmem>>) offsets(%dma_start3A_299 : memref<128xi32, #tpu.memory_space<vmem>>) semaphore(%arg32 : memref<!tpu.dma_semaphore, #tpu.memory_space<semaphore_mem>>)
    %dma_start3A_303 = arith.constant 256 : i32
    %dma_start3A_304 = tpu.memref_slice %arg21[%dma_start3A_303] : memref<512xi32, #tpu.memory_space<vmem>> -> memref<128xi32, #tpu.memory_space<vmem>>
    %dma_start3A_305 = arith.constant 0 : i32
    %dma_start3A_306 = arith.constant 0 : i32
    %dma_start3A_307 = tpu.memref_slice %arg10[%dma_start3A_305, %dma_start3A_306] : memref<1000000x64xf32, #tpu.memory_space<hbm>> -> memref<1000000x64xf32, #tpu.memory_space<hbm>>
    tpu.enqueue_indirect_dma source(%dma_start3A_307 : memref<1000000x64xf32, #tpu.memory_space<hbm>>) target(%arg25 : memref<128x64xf32, #tpu.memory_space<vmem>>) offsets(%dma_start3A_304 : memref<128xi32, #tpu.memory_space<vmem>>) semaphore(%arg32 : memref<!tpu.dma_semaphore, #tpu.memory_space<semaphore_mem>>)
    %iota3A_308 = tpu.iota {dimensions = array<i32: 0>} : vector<16xi32>
    %eq3A_309 = arith.constant 15 : i32
    %eq3A_310 = vector.broadcast %eq3A_309 : i32 to vector<16xi32>
    %eq3A_311 = arith.cmpi eq, %iota3A_308, %eq3A_310 : vector<16xi32>
    %scan3A_312 = arith.constant 0 : i32
    %scan3A_313 = arith.constant 0 : i32
    %scan3A_314 = arith.constant 128 : i32
    %scan3A_315 = arith.addi %scan3A_313, %scan3A_314 : i32
    %scan3A_316 = arith.constant 1 : i32
    scf.for %scan3A_398 = %scan3A_313 to %scan3A_315 step %scan3A_316  : i32 {
      %broadcast_in_dim3A = arith.constant 0.000000e+00 : f32
      %broadcast_in_dim3A_399 = vector.broadcast %broadcast_in_dim3A : f32 to vector<16xf32>
      %get3A = arith.index_cast %scan3A_398 : i32 to index
      %get3A_400 = arith.constant 0 : index
      %get3A_401 = tpu.vector_load %arg26[%get3A, %get3A_400] {strides = array<i32>} : memref<128x64xf32, #tpu.memory_space<vmem>>, vector<16xf32>,
      %get3A_402 = arith.index_cast %scan3A_398 : i32 to index
      %get3A_403 = arith.constant 0 : index
      %get3A_404 = tpu.vector_load %arg27[%get3A_402, %get3A_403] {strides = array<i32>} : memref<128x64xf32, #tpu.memory_space<vmem>>, vector<16xf32>,
      %add3A_405 = arith.addf %get3A_401, %get3A_404 : vector<16xf32>
      %get3A_406 = arith.index_cast %scan3A_398 : i32 to index
      %get3A_407 = arith.constant 0 : index
      %get3A_408 = tpu.vector_load %arg28[%get3A_406, %get3A_407] {strides = array<i32>} : memref<128x64xf32, #tpu.memory_space<vmem>>, vector<16xf32>,
      %add3A_409 = arith.addf %add3A_405, %get3A_408 : vector<16xf32>
      %get3A_410 = arith.index_cast %scan3A_398 : i32 to index
      %get3A_411 = arith.constant 0 : index
      %get3A_412 = tpu.vector_load %arg29[%get3A_410, %get3A_411] {strides = array<i32>} : memref<128x64xf32, #tpu.memory_space<vmem>>, vector<16xf32>,
      %sub3A = arith.subf %add3A_409, %get3A_412 : vector<16xf32>
      %abs3A = math.absf %sub3A : vector<16xf32>
      %add3A_413 = arith.addf %broadcast_in_dim3A_399, %abs3A : vector<16xf32>
      %get3A_414 = arith.index_cast %scan3A_398 : i32 to index
      %get3A_415 = arith.constant 16 : index
      %get3A_416 = tpu.vector_load %arg26[%get3A_414, %get3A_415] {strides = array<i32>} : memref<128x64xf32, #tpu.memory_space<vmem>>, vector<16xf32>,
      %get3A_417 = arith.index_cast %scan3A_398 : i32 to index
      %get3A_418 = arith.constant 16 : index
      %get3A_419 = tpu.vector_load %arg27[%get3A_417, %get3A_418] {strides = array<i32>} : memref<128x64xf32, #tpu.memory_space<vmem>>, vector<16xf32>,
      %add3A_420 = arith.addf %get3A_416, %get3A_419 : vector<16xf32>
      %get3A_421 = arith.index_cast %scan3A_398 : i32 to index
      %get3A_422 = arith.constant 16 : index
      %get3A_423 = tpu.vector_load %arg28[%get3A_421, %get3A_422] {strides = array<i32>} : memref<128x64xf32, #tpu.memory_space<vmem>>, vector<16xf32>,
      %add3A_424 = arith.addf %add3A_420, %get3A_423 : vector<16xf32>
      %get3A_425 = arith.index_cast %scan3A_398 : i32 to index
      %get3A_426 = arith.constant 16 : index
      %get3A_427 = tpu.vector_load %arg29[%get3A_425, %get3A_426] {strides = array<i32>} : memref<128x64xf32, #tpu.memory_space<vmem>>, vector<16xf32>,
      %sub3A_428 = arith.subf %add3A_424, %get3A_427 : vector<16xf32>
      %abs3A_429 = math.absf %sub3A_428 : vector<16xf32>
      %add3A_430 = arith.addf %add3A_413, %abs3A_429 : vector<16xf32>
      %get3A_431 = arith.index_cast %scan3A_398 : i32 to index
      %get3A_432 = arith.constant 32 : index
      %get3A_433 = tpu.vector_load %arg26[%get3A_431, %get3A_432] {strides = array<i32>} : memref<128x64xf32, #tpu.memory_space<vmem>>, vector<16xf32>,
      %get3A_434 = arith.index_cast %scan3A_398 : i32 to index
      %get3A_435 = arith.constant 32 : index
      %get3A_436 = tpu.vector_load %arg27[%get3A_434, %get3A_435] {strides = array<i32>} : memref<128x64xf32, #tpu.memory_space<vmem>>, vector<16xf32>,
      %add3A_437 = arith.addf %get3A_433, %get3A_436 : vector<16xf32>
      %get3A_438 = arith.index_cast %scan3A_398 : i32 to index
      %get3A_439 = arith.constant 32 : index
      %get3A_440 = tpu.vector_load %arg28[%get3A_438, %get3A_439] {strides = array<i32>} : memref<128x64xf32, #tpu.memory_space<vmem>>, vector<16xf32>,
      %add3A_441 = arith.addf %add3A_437, %get3A_440 : vector<16xf32>
      %get3A_442 = arith.index_cast %scan3A_398 : i32 to index
      %get3A_443 = arith.constant 32 : index
      %get3A_444 = tpu.vector_load %arg29[%get3A_442, %get3A_443] {strides = array<i32>} : memref<128x64xf32, #tpu.memory_space<vmem>>, vector<16xf32>,
      %sub3A_445 = arith.subf %add3A_441, %get3A_444 : vector<16xf32>
      %abs3A_446 = math.absf %sub3A_445 : vector<16xf32>
      %add3A_447 = arith.addf %add3A_430, %abs3A_446 : vector<16xf32>
      %get3A_448 = arith.index_cast %scan3A_398 : i32 to index
      %get3A_449 = arith.constant 48 : index
      %get3A_450 = tpu.vector_load %arg26[%get3A_448, %get3A_449] {strides = array<i32>} : memref<128x64xf32, #tpu.memory_space<vmem>>, vector<16xf32>,
      %get3A_451 = arith.index_cast %scan3A_398 : i32 to index
      %get3A_452 = arith.constant 48 : index
      %get3A_453 = tpu.vector_load %arg27[%get3A_451, %get3A_452] {strides = array<i32>} : memref<128x64xf32, #tpu.memory_space<vmem>>, vector<16xf32>,
      %add3A_454 = arith.addf %get3A_450, %get3A_453 : vector<16xf32>
      %get3A_455 = arith.index_cast %scan3A_398 : i32 to index
      %get3A_456 = arith.constant 48 : index
      %get3A_457 = tpu.vector_load %arg28[%get3A_455, %get3A_456] {strides = array<i32>} : memref<128x64xf32, #tpu.memory_space<vmem>>, vector<16xf32>,
      %add3A_458 = arith.addf %add3A_454, %get3A_457 : vector<16xf32>
      %get3A_459 = arith.index_cast %scan3A_398 : i32 to index
      %get3A_460 = arith.constant 48 : index
      %get3A_461 = tpu.vector_load %arg29[%get3A_459, %get3A_460] {strides = array<i32>} : memref<128x64xf32, #tpu.memory_space<vmem>>, vector<16xf32>,
      %sub3A_462 = arith.subf %add3A_458, %get3A_461 : vector<16xf32>
      %abs3A_463 = math.absf %sub3A_462 : vector<16xf32>
      %add3A_464 = arith.addf %add3A_447, %abs3A_463 : vector<16xf32>
      %broadcast_in_dim3A_465 = arith.constant true
      %broadcast_in_dim3A_466 = vector.broadcast %broadcast_in_dim3A_465 : i1 to vector<16xi1>
      %masked_cumsum3A = tpu.scan <sum>, %add3A_464 masked %broadcast_in_dim3A_466 : vector<16xf32>, vector<16xi1> -> vector<16xf32>
      %add3A_467 = arith.constant 128 : i32
      %add3A_468 = arith.addi %add3A_467, %scan3A_398 : i32
      %broadcast_in_dim3A_469 = vector.broadcast %add3A_468 : i32 to vector<16xi32>
      tpu.vector_store_idx %arg31[%broadcast_in_dim3A_469], %masked_cumsum3A masked %eq3A_311 : memref<512xf32, #tpu.memory_space<vmem>>[vector<16xi32>], vector<16xf32>, vector<16xi1>
    }
    %scan3A_317 = arith.constant 128 : i32
    %dma_wait3A_318 = arith.constant 256 : i32
    %dma_wait3A_319 = tpu.memref_slice %arg19[%dma_wait3A_318] : memref<512xi32, #tpu.memory_space<vmem>> -> memref<128xi32, #tpu.memory_space<vmem>>
    %dma_wait3A_320 = arith.constant 0 : i32
    %dma_wait3A_321 = arith.constant 0 : i32
    %dma_wait3A_322 = tpu.memref_slice %arg10[%dma_wait3A_320, %dma_wait3A_321] : memref<1000000x64xf32, #tpu.memory_space<hbm>> -> memref<1000000x64xf32, #tpu.memory_space<hbm>>
    tpu.wait_indirect_dma semaphore(%arg32 : memref<!tpu.dma_semaphore, #tpu.memory_space<semaphore_mem>>) src(%dma_wait3A_322 : memref<1000000x64xf32, #tpu.memory_space<hbm>>) dst(%arg22 : memref<128x64xf32, #tpu.memory_space<vmem>>)
    %dma_wait3A_323 = arith.constant 256 : i32
    %dma_wait3A_324 = tpu.memref_slice %arg20[%dma_wait3A_323] : memref<512xi32, #tpu.memory_space<vmem>> -> memref<128xi32, #tpu.memory_space<vmem>>
    %dma_wait3A_325 = arith.constant 0 : i32
    %dma_wait3A_326 = arith.constant 0 : i32
    %dma_wait3A_327 = tpu.memref_slice %arg11[%dma_wait3A_325, %dma_wait3A_326] : memref<1000x64xf32, #tpu.memory_space<hbm>> -> memref<1000x64xf32, #tpu.memory_space<hbm>>
    tpu.wait_indirect_dma semaphore(%arg32 : memref<!tpu.dma_semaphore, #tpu.memory_space<semaphore_mem>>) src(%dma_wait3A_327 : memref<1000x64xf32, #tpu.memory_space<hbm>>) dst(%arg23 : memref<128x64xf32, #tpu.memory_space<vmem>>)
    %dma_wait3A_328 = arith.constant 256 : i32
    %dma_wait3A_329 = tpu.memref_slice %arg18[%dma_wait3A_328] : memref<512xi32, #tpu.memory_space<vmem>> -> memref<128xi32, #tpu.memory_space<vmem>>
    %dma_wait3A_330 = arith.constant 0 : i32
    %dma_wait3A_331 = arith.constant 0 : i32
    %dma_wait3A_332 = tpu.memref_slice %arg12[%dma_wait3A_330, %dma_wait3A_331] : memref<1000x64xf32, #tpu.memory_space<hbm>> -> memref<1000x64xf32, #tpu.memory_space<hbm>>
    tpu.wait_indirect_dma semaphore(%arg32 : memref<!tpu.dma_semaphore, #tpu.memory_space<semaphore_mem>>) src(%dma_wait3A_332 : memref<1000x64xf32, #tpu.memory_space<hbm>>) dst(%arg24 : memref<128x64xf32, #tpu.memory_space<vmem>>)
    %dma_wait3A_333 = arith.constant 256 : i32
    %dma_wait3A_334 = tpu.memref_slice %arg21[%dma_wait3A_333] : memref<512xi32, #tpu.memory_space<vmem>> -> memref<128xi32, #tpu.memory_space<vmem>>
    %dma_wait3A_335 = arith.constant 0 : i32
    %dma_wait3A_336 = arith.constant 0 : i32
    %dma_wait3A_337 = tpu.memref_slice %arg10[%dma_wait3A_335, %dma_wait3A_336] : memref<1000000x64xf32, #tpu.memory_space<hbm>> -> memref<1000000x64xf32, #tpu.memory_space<hbm>>
    tpu.wait_indirect_dma semaphore(%arg32 : memref<!tpu.dma_semaphore, #tpu.memory_space<semaphore_mem>>) src(%dma_wait3A_337 : memref<1000000x64xf32, #tpu.memory_space<hbm>>) dst(%arg25 : memref<128x64xf32, #tpu.memory_space<vmem>>)
    %dma_start3A_338 = arith.constant 384 : i32
    %dma_start3A_339 = tpu.memref_slice %arg19[%dma_start3A_338] : memref<512xi32, #tpu.memory_space<vmem>> -> memref<128xi32, #tpu.memory_space<vmem>>
    %dma_start3A_340 = arith.constant 0 : i32
    %dma_start3A_341 = arith.constant 0 : i32
    %dma_start3A_342 = tpu.memref_slice %arg10[%dma_start3A_340, %dma_start3A_341] : memref<1000000x64xf32, #tpu.memory_space<hbm>> -> memref<1000000x64xf32, #tpu.memory_space<hbm>>
    tpu.enqueue_indirect_dma source(%dma_start3A_342 : memref<1000000x64xf32, #tpu.memory_space<hbm>>) target(%arg26 : memref<128x64xf32, #tpu.memory_space<vmem>>) offsets(%dma_start3A_339 : memref<128xi32, #tpu.memory_space<vmem>>) semaphore(%arg33 : memref<!tpu.dma_semaphore, #tpu.memory_space<semaphore_mem>>)
    %dma_start3A_343 = arith.constant 384 : i32
    %dma_start3A_344 = tpu.memref_slice %arg20[%dma_start3A_343] : memref<512xi32, #tpu.memory_space<vmem>> -> memref<128xi32, #tpu.memory_space<vmem>>
    %dma_start3A_345 = arith.constant 0 : i32
    %dma_start3A_346 = arith.constant 0 : i32
    %dma_start3A_347 = tpu.memref_slice %arg11[%dma_start3A_345, %dma_start3A_346] : memref<1000x64xf32, #tpu.memory_space<hbm>> -> memref<1000x64xf32, #tpu.memory_space<hbm>>
    tpu.enqueue_indirect_dma source(%dma_start3A_347 : memref<1000x64xf32, #tpu.memory_space<hbm>>) target(%arg27 : memref<128x64xf32, #tpu.memory_space<vmem>>) offsets(%dma_start3A_344 : memref<128xi32, #tpu.memory_space<vmem>>) semaphore(%arg33 : memref<!tpu.dma_semaphore, #tpu.memory_space<semaphore_mem>>)
    %dma_start3A_348 = arith.constant 384 : i32
    %dma_start3A_349 = tpu.memref_slice %arg18[%dma_start3A_348] : memref<512xi32, #tpu.memory_space<vmem>> -> memref<128xi32, #tpu.memory_space<vmem>>
    %dma_start3A_350 = arith.constant 0 : i32
    %dma_start3A_351 = arith.constant 0 : i32
    %dma_start3A_352 = tpu.memref_slice %arg12[%dma_start3A_350, %dma_start3A_351] : memref<1000x64xf32, #tpu.memory_space<hbm>> -> memref<1000x64xf32, #tpu.memory_space<hbm>>
    tpu.enqueue_indirect_dma source(%dma_start3A_352 : memref<1000x64xf32, #tpu.memory_space<hbm>>) target(%arg28 : memref<128x64xf32, #tpu.memory_space<vmem>>) offsets(%dma_start3A_349 : memref<128xi32, #tpu.memory_space<vmem>>) semaphore(%arg33 : memref<!tpu.dma_semaphore, #tpu.memory_space<semaphore_mem>>)
    %dma_start3A_353 = arith.constant 384 : i32
    %dma_start3A_354 = tpu.memref_slice %arg21[%dma_start3A_353] : memref<512xi32, #tpu.memory_space<vmem>> -> memref<128xi32, #tpu.memory_space<vmem>>
    %dma_start3A_355 = arith.constant 0 : i32
    %dma_start3A_356 = arith.constant 0 : i32
    %dma_start3A_357 = tpu.memref_slice %arg10[%dma_start3A_355, %dma_start3A_356] : memref<1000000x64xf32, #tpu.memory_space<hbm>> -> memref<1000000x64xf32, #tpu.memory_space<hbm>>
    tpu.enqueue_indirect_dma source(%dma_start3A_357 : memref<1000000x64xf32, #tpu.memory_space<hbm>>) target(%arg29 : memref<128x64xf32, #tpu.memory_space<vmem>>) offsets(%dma_start3A_354 : memref<128xi32, #tpu.memory_space<vmem>>) semaphore(%arg33 : memref<!tpu.dma_semaphore, #tpu.memory_space<semaphore_mem>>)
    %iota3A_358 = tpu.iota {dimensions = array<i32: 0>} : vector<16xi32>
    %eq3A_359 = arith.constant 15 : i32
    %eq3A_360 = vector.broadcast %eq3A_359 : i32 to vector<16xi32>
    %eq3A_361 = arith.cmpi eq, %iota3A_358, %eq3A_360 : vector<16xi32>
    %scan3A_362 = arith.constant 0 : i32
    %scan3A_363 = arith.constant 0 : i32
    %scan3A_364 = arith.constant 128 : i32
    %scan3A_365 = arith.addi %scan3A_363, %scan3A_364 : i32
    %scan3A_366 = arith.constant 1 : i32
    scf.for %scan3A_398 = %scan3A_363 to %scan3A_365 step %scan3A_366  : i32 {
      %broadcast_in_dim3A = arith.constant 0.000000e+00 : f32
      %broadcast_in_dim3A_399 = vector.broadcast %broadcast_in_dim3A : f32 to vector<16xf32>
      %get3A = arith.index_cast %scan3A_398 : i32 to index
      %get3A_400 = arith.constant 0 : index
      %get3A_401 = tpu.vector_load %arg22[%get3A, %get3A_400] {strides = array<i32>} : memref<128x64xf32, #tpu.memory_space<vmem>>, vector<16xf32>,
      %get3A_402 = arith.index_cast %scan3A_398 : i32 to index
      %get3A_403 = arith.constant 0 : index
      %get3A_404 = tpu.vector_load %arg23[%get3A_402, %get3A_403] {strides = array<i32>} : memref<128x64xf32, #tpu.memory_space<vmem>>, vector<16xf32>,
      %add3A_405 = arith.addf %get3A_401, %get3A_404 : vector<16xf32>
      %get3A_406 = arith.index_cast %scan3A_398 : i32 to index
      %get3A_407 = arith.constant 0 : index
      %get3A_408 = tpu.vector_load %arg24[%get3A_406, %get3A_407] {strides = array<i32>} : memref<128x64xf32, #tpu.memory_space<vmem>>, vector<16xf32>,
      %add3A_409 = arith.addf %add3A_405, %get3A_408 : vector<16xf32>
      %get3A_410 = arith.index_cast %scan3A_398 : i32 to index
      %get3A_411 = arith.constant 0 : index
      %get3A_412 = tpu.vector_load %arg25[%get3A_410, %get3A_411] {strides = array<i32>} : memref<128x64xf32, #tpu.memory_space<vmem>>, vector<16xf32>,
      %sub3A = arith.subf %add3A_409, %get3A_412 : vector<16xf32>
      %abs3A = math.absf %sub3A : vector<16xf32>
      %add3A_413 = arith.addf %broadcast_in_dim3A_399, %abs3A : vector<16xf32>
      %get3A_414 = arith.index_cast %scan3A_398 : i32 to index
      %get3A_415 = arith.constant 16 : index
      %get3A_416 = tpu.vector_load %arg22[%get3A_414, %get3A_415] {strides = array<i32>} : memref<128x64xf32, #tpu.memory_space<vmem>>, vector<16xf32>,
      %get3A_417 = arith.index_cast %scan3A_398 : i32 to index
      %get3A_418 = arith.constant 16 : index
      %get3A_419 = tpu.vector_load %arg23[%get3A_417, %get3A_418] {strides = array<i32>} : memref<128x64xf32, #tpu.memory_space<vmem>>, vector<16xf32>,
      %add3A_420 = arith.addf %get3A_416, %get3A_419 : vector<16xf32>
      %get3A_421 = arith.index_cast %scan3A_398 : i32 to index
      %get3A_422 = arith.constant 16 : index
      %get3A_423 = tpu.vector_load %arg24[%get3A_421, %get3A_422] {strides = array<i32>} : memref<128x64xf32, #tpu.memory_space<vmem>>, vector<16xf32>,
      %add3A_424 = arith.addf %add3A_420, %get3A_423 : vector<16xf32>
      %get3A_425 = arith.index_cast %scan3A_398 : i32 to index
      %get3A_426 = arith.constant 16 : index
      %get3A_427 = tpu.vector_load %arg25[%get3A_425, %get3A_426] {strides = array<i32>} : memref<128x64xf32, #tpu.memory_space<vmem>>, vector<16xf32>,
      %sub3A_428 = arith.subf %add3A_424, %get3A_427 : vector<16xf32>
      %abs3A_429 = math.absf %sub3A_428 : vector<16xf32>
      %add3A_430 = arith.addf %add3A_413, %abs3A_429 : vector<16xf32>
      %get3A_431 = arith.index_cast %scan3A_398 : i32 to index
      %get3A_432 = arith.constant 32 : index
      %get3A_433 = tpu.vector_load %arg22[%get3A_431, %get3A_432] {strides = array<i32>} : memref<128x64xf32, #tpu.memory_space<vmem>>, vector<16xf32>,
      %get3A_434 = arith.index_cast %scan3A_398 : i32 to index
      %get3A_435 = arith.constant 32 : index
      %get3A_436 = tpu.vector_load %arg23[%get3A_434, %get3A_435] {strides = array<i32>} : memref<128x64xf32, #tpu.memory_space<vmem>>, vector<16xf32>,
      %add3A_437 = arith.addf %get3A_433, %get3A_436 : vector<16xf32>
      %get3A_438 = arith.index_cast %scan3A_398 : i32 to index
      %get3A_439 = arith.constant 32 : index
      %get3A_440 = tpu.vector_load %arg24[%get3A_438, %get3A_439] {strides = array<i32>} : memref<128x64xf32, #tpu.memory_space<vmem>>, vector<16xf32>,
      %add3A_441 = arith.addf %add3A_437, %get3A_440 : vector<16xf32>
      %get3A_442 = arith.index_cast %scan3A_398 : i32 to index
      %get3A_443 = arith.constant 32 : index
      %get3A_444 = tpu.vector_load %arg25[%get3A_442, %get3A_443] {strides = array<i32>} : memref<128x64xf32, #tpu.memory_space<vmem>>, vector<16xf32>,
      %sub3A_445 = arith.subf %add3A_441, %get3A_444 : vector<16xf32>
      %abs3A_446 = math.absf %sub3A_445 : vector<16xf32>
      %add3A_447 = arith.addf %add3A_430, %abs3A_446 : vector<16xf32>
      %get3A_448 = arith.index_cast %scan3A_398 : i32 to index
      %get3A_449 = arith.constant 48 : index
      %get3A_450 = tpu.vector_load %arg22[%get3A_448, %get3A_449] {strides = array<i32>} : memref<128x64xf32, #tpu.memory_space<vmem>>, vector<16xf32>,
      %get3A_451 = arith.index_cast %scan3A_398 : i32 to index
      %get3A_452 = arith.constant 48 : index
      %get3A_453 = tpu.vector_load %arg23[%get3A_451, %get3A_452] {strides = array<i32>} : memref<128x64xf32, #tpu.memory_space<vmem>>, vector<16xf32>,
      %add3A_454 = arith.addf %get3A_450, %get3A_453 : vector<16xf32>
      %get3A_455 = arith.index_cast %scan3A_398 : i32 to index
      %get3A_456 = arith.constant 48 : index
      %get3A_457 = tpu.vector_load %arg24[%get3A_455, %get3A_456] {strides = array<i32>} : memref<128x64xf32, #tpu.memory_space<vmem>>, vector<16xf32>,
      %add3A_458 = arith.addf %add3A_454, %get3A_457 : vector<16xf32>
      %get3A_459 = arith.index_cast %scan3A_398 : i32 to index
      %get3A_460 = arith.constant 48 : index
      %get3A_461 = tpu.vector_load %arg25[%get3A_459, %get3A_460] {strides = array<i32>} : memref<128x64xf32, #tpu.memory_space<vmem>>, vector<16xf32>,
      %sub3A_462 = arith.subf %add3A_458, %get3A_461 : vector<16xf32>
      %abs3A_463 = math.absf %sub3A_462 : vector<16xf32>
      %add3A_464 = arith.addf %add3A_447, %abs3A_463 : vector<16xf32>
      %broadcast_in_dim3A_465 = arith.constant true
      %broadcast_in_dim3A_466 = vector.broadcast %broadcast_in_dim3A_465 : i1 to vector<16xi1>
      %masked_cumsum3A = tpu.scan <sum>, %add3A_464 masked %broadcast_in_dim3A_466 : vector<16xf32>, vector<16xi1> -> vector<16xf32>
      %add3A_467 = arith.constant 256 : i32
      %add3A_468 = arith.addi %add3A_467, %scan3A_398 : i32
      %broadcast_in_dim3A_469 = vector.broadcast %add3A_468 : i32 to vector<16xi32>
      tpu.vector_store_idx %arg31[%broadcast_in_dim3A_469], %masked_cumsum3A masked %eq3A_361 : memref<512xf32, #tpu.memory_space<vmem>>[vector<16xi32>], vector<16xf32>, vector<16xi1>
    }
    %scan3A_367 = arith.constant 128 : i32
    %dma_wait3A_368 = arith.constant 384 : i32
    %dma_wait3A_369 = tpu.memref_slice %arg19[%dma_wait3A_368] : memref<512xi32, #tpu.memory_space<vmem>> -> memref<128xi32, #tpu.memory_space<vmem>>
    %dma_wait3A_370 = arith.constant 0 : i32
    %dma_wait3A_371 = arith.constant 0 : i32
    %dma_wait3A_372 = tpu.memref_slice %arg10[%dma_wait3A_370, %dma_wait3A_371] : memref<1000000x64xf32, #tpu.memory_space<hbm>> -> memref<1000000x64xf32, #tpu.memory_space<hbm>>
    tpu.wait_indirect_dma semaphore(%arg33 : memref<!tpu.dma_semaphore, #tpu.memory_space<semaphore_mem>>) src(%dma_wait3A_372 : memref<1000000x64xf32, #tpu.memory_space<hbm>>) dst(%arg26 : memref<128x64xf32, #tpu.memory_space<vmem>>)
    %dma_wait3A_373 = arith.constant 384 : i32
    %dma_wait3A_374 = tpu.memref_slice %arg20[%dma_wait3A_373] : memref<512xi32, #tpu.memory_space<vmem>> -> memref<128xi32, #tpu.memory_space<vmem>>
    %dma_wait3A_375 = arith.constant 0 : i32
    %dma_wait3A_376 = arith.constant 0 : i32
    %dma_wait3A_377 = tpu.memref_slice %arg11[%dma_wait3A_375, %dma_wait3A_376] : memref<1000x64xf32, #tpu.memory_space<hbm>> -> memref<1000x64xf32, #tpu.memory_space<hbm>>
    tpu.wait_indirect_dma semaphore(%arg33 : memref<!tpu.dma_semaphore, #tpu.memory_space<semaphore_mem>>) src(%dma_wait3A_377 : memref<1000x64xf32, #tpu.memory_space<hbm>>) dst(%arg27 : memref<128x64xf32, #tpu.memory_space<vmem>>)
    %dma_wait3A_378 = arith.constant 384 : i32
    %dma_wait3A_379 = tpu.memref_slice %arg18[%dma_wait3A_378] : memref<512xi32, #tpu.memory_space<vmem>> -> memref<128xi32, #tpu.memory_space<vmem>>
    %dma_wait3A_380 = arith.constant 0 : i32
    %dma_wait3A_381 = arith.constant 0 : i32
    %dma_wait3A_382 = tpu.memref_slice %arg12[%dma_wait3A_380, %dma_wait3A_381] : memref<1000x64xf32, #tpu.memory_space<hbm>> -> memref<1000x64xf32, #tpu.memory_space<hbm>>
    tpu.wait_indirect_dma semaphore(%arg33 : memref<!tpu.dma_semaphore, #tpu.memory_space<semaphore_mem>>) src(%dma_wait3A_382 : memref<1000x64xf32, #tpu.memory_space<hbm>>) dst(%arg28 : memref<128x64xf32, #tpu.memory_space<vmem>>)
    %dma_wait3A_383 = arith.constant 384 : i32
    %dma_wait3A_384 = tpu.memref_slice %arg21[%dma_wait3A_383] : memref<512xi32, #tpu.memory_space<vmem>> -> memref<128xi32, #tpu.memory_space<vmem>>
    %dma_wait3A_385 = arith.constant 0 : i32
    %dma_wait3A_386 = arith.constant 0 : i32
    %dma_wait3A_387 = tpu.memref_slice %arg10[%dma_wait3A_385, %dma_wait3A_386] : memref<1000000x64xf32, #tpu.memory_space<hbm>> -> memref<1000000x64xf32, #tpu.memory_space<hbm>>
    tpu.wait_indirect_dma semaphore(%arg33 : memref<!tpu.dma_semaphore, #tpu.memory_space<semaphore_mem>>) src(%dma_wait3A_387 : memref<1000000x64xf32, #tpu.memory_space<hbm>>) dst(%arg29 : memref<128x64xf32, #tpu.memory_space<vmem>>)
    %iota3A_388 = tpu.iota {dimensions = array<i32: 0>} : vector<16xi32>
    %eq3A_389 = arith.constant 15 : i32
    %eq3A_390 = vector.broadcast %eq3A_389 : i32 to vector<16xi32>
    %eq3A_391 = arith.cmpi eq, %iota3A_388, %eq3A_390 : vector<16xi32>
    %scan3A_392 = arith.constant 0 : i32
    %scan3A_393 = arith.constant 0 : i32
    %scan3A_394 = arith.constant 128 : i32
    %scan3A_395 = arith.addi %scan3A_393, %scan3A_394 : i32
    %scan3A_396 = arith.constant 1 : i32
    scf.for %scan3A_398 = %scan3A_393 to %scan3A_395 step %scan3A_396  : i32 {
      %broadcast_in_dim3A = arith.constant 0.000000e+00 : f32
      %broadcast_in_dim3A_399 = vector.broadcast %broadcast_in_dim3A : f32 to vector<16xf32>
      %get3A = arith.index_cast %scan3A_398 : i32 to index
      %get3A_400 = arith.constant 0 : index
      %get3A_401 = tpu.vector_load %arg26[%get3A, %get3A_400] {strides = array<i32>} : memref<128x64xf32, #tpu.memory_space<vmem>>, vector<16xf32>,
      %get3A_402 = arith.index_cast %scan3A_398 : i32 to index
      %get3A_403 = arith.constant 0 : index
      %get3A_404 = tpu.vector_load %arg27[%get3A_402, %get3A_403] {strides = array<i32>} : memref<128x64xf32, #tpu.memory_space<vmem>>, vector<16xf32>,
      %add3A_405 = arith.addf %get3A_401, %get3A_404 : vector<16xf32>
      %get3A_406 = arith.index_cast %scan3A_398 : i32 to index
      %get3A_407 = arith.constant 0 : index
      %get3A_408 = tpu.vector_load %arg28[%get3A_406, %get3A_407] {strides = array<i32>} : memref<128x64xf32, #tpu.memory_space<vmem>>, vector<16xf32>,
      %add3A_409 = arith.addf %add3A_405, %get3A_408 : vector<16xf32>
      %get3A_410 = arith.index_cast %scan3A_398 : i32 to index
      %get3A_411 = arith.constant 0 : index
      %get3A_412 = tpu.vector_load %arg29[%get3A_410, %get3A_411] {strides = array<i32>} : memref<128x64xf32, #tpu.memory_space<vmem>>, vector<16xf32>,
      %sub3A = arith.subf %add3A_409, %get3A_412 : vector<16xf32>
      %abs3A = math.absf %sub3A : vector<16xf32>
      %add3A_413 = arith.addf %broadcast_in_dim3A_399, %abs3A : vector<16xf32>
      %get3A_414 = arith.index_cast %scan3A_398 : i32 to index
      %get3A_415 = arith.constant 16 : index
      %get3A_416 = tpu.vector_load %arg26[%get3A_414, %get3A_415] {strides = array<i32>} : memref<128x64xf32, #tpu.memory_space<vmem>>, vector<16xf32>,
      %get3A_417 = arith.index_cast %scan3A_398 : i32 to index
      %get3A_418 = arith.constant 16 : index
      %get3A_419 = tpu.vector_load %arg27[%get3A_417, %get3A_418] {strides = array<i32>} : memref<128x64xf32, #tpu.memory_space<vmem>>, vector<16xf32>,
      %add3A_420 = arith.addf %get3A_416, %get3A_419 : vector<16xf32>
      %get3A_421 = arith.index_cast %scan3A_398 : i32 to index
      %get3A_422 = arith.constant 16 : index
      %get3A_423 = tpu.vector_load %arg28[%get3A_421, %get3A_422] {strides = array<i32>} : memref<128x64xf32, #tpu.memory_space<vmem>>, vector<16xf32>,
      %add3A_424 = arith.addf %add3A_420, %get3A_423 : vector<16xf32>
      %get3A_425 = arith.index_cast %scan3A_398 : i32 to index
      %get3A_426 = arith.constant 16 : index
      %get3A_427 = tpu.vector_load %arg29[%get3A_425, %get3A_426] {strides = array<i32>} : memref<128x64xf32, #tpu.memory_space<vmem>>, vector<16xf32>,
      %sub3A_428 = arith.subf %add3A_424, %get3A_427 : vector<16xf32>
      %abs3A_429 = math.absf %sub3A_428 : vector<16xf32>
      %add3A_430 = arith.addf %add3A_413, %abs3A_429 : vector<16xf32>
      %get3A_431 = arith.index_cast %scan3A_398 : i32 to index
      %get3A_432 = arith.constant 32 : index
      %get3A_433 = tpu.vector_load %arg26[%get3A_431, %get3A_432] {strides = array<i32>} : memref<128x64xf32, #tpu.memory_space<vmem>>, vector<16xf32>,
      %get3A_434 = arith.index_cast %scan3A_398 : i32 to index
      %get3A_435 = arith.constant 32 : index
      %get3A_436 = tpu.vector_load %arg27[%get3A_434, %get3A_435] {strides = array<i32>} : memref<128x64xf32, #tpu.memory_space<vmem>>, vector<16xf32>,
      %add3A_437 = arith.addf %get3A_433, %get3A_436 : vector<16xf32>
      %get3A_438 = arith.index_cast %scan3A_398 : i32 to index
      %get3A_439 = arith.constant 32 : index
      %get3A_440 = tpu.vector_load %arg28[%get3A_438, %get3A_439] {strides = array<i32>} : memref<128x64xf32, #tpu.memory_space<vmem>>, vector<16xf32>,
      %add3A_441 = arith.addf %add3A_437, %get3A_440 : vector<16xf32>
      %get3A_442 = arith.index_cast %scan3A_398 : i32 to index
      %get3A_443 = arith.constant 32 : index
      %get3A_444 = tpu.vector_load %arg29[%get3A_442, %get3A_443] {strides = array<i32>} : memref<128x64xf32, #tpu.memory_space<vmem>>, vector<16xf32>,
      %sub3A_445 = arith.subf %add3A_441, %get3A_444 : vector<16xf32>
      %abs3A_446 = math.absf %sub3A_445 : vector<16xf32>
      %add3A_447 = arith.addf %add3A_430, %abs3A_446 : vector<16xf32>
      %get3A_448 = arith.index_cast %scan3A_398 : i32 to index
      %get3A_449 = arith.constant 48 : index
      %get3A_450 = tpu.vector_load %arg26[%get3A_448, %get3A_449] {strides = array<i32>} : memref<128x64xf32, #tpu.memory_space<vmem>>, vector<16xf32>,
      %get3A_451 = arith.index_cast %scan3A_398 : i32 to index
      %get3A_452 = arith.constant 48 : index
      %get3A_453 = tpu.vector_load %arg27[%get3A_451, %get3A_452] {strides = array<i32>} : memref<128x64xf32, #tpu.memory_space<vmem>>, vector<16xf32>,
      %add3A_454 = arith.addf %get3A_450, %get3A_453 : vector<16xf32>
      %get3A_455 = arith.index_cast %scan3A_398 : i32 to index
      %get3A_456 = arith.constant 48 : index
      %get3A_457 = tpu.vector_load %arg28[%get3A_455, %get3A_456] {strides = array<i32>} : memref<128x64xf32, #tpu.memory_space<vmem>>, vector<16xf32>,
      %add3A_458 = arith.addf %add3A_454, %get3A_457 : vector<16xf32>
      %get3A_459 = arith.index_cast %scan3A_398 : i32 to index
      %get3A_460 = arith.constant 48 : index
      %get3A_461 = tpu.vector_load %arg29[%get3A_459, %get3A_460] {strides = array<i32>} : memref<128x64xf32, #tpu.memory_space<vmem>>, vector<16xf32>,
      %sub3A_462 = arith.subf %add3A_458, %get3A_461 : vector<16xf32>
      %abs3A_463 = math.absf %sub3A_462 : vector<16xf32>
      %add3A_464 = arith.addf %add3A_447, %abs3A_463 : vector<16xf32>
      %broadcast_in_dim3A_465 = arith.constant true
      %broadcast_in_dim3A_466 = vector.broadcast %broadcast_in_dim3A_465 : i1 to vector<16xi1>
      %masked_cumsum3A = tpu.scan <sum>, %add3A_464 masked %broadcast_in_dim3A_466 : vector<16xf32>, vector<16xi1> -> vector<16xf32>
      %add3A_467 = arith.constant 384 : i32
      %add3A_468 = arith.addi %add3A_467, %scan3A_398 : i32
      %broadcast_in_dim3A_469 = vector.broadcast %add3A_468 : i32 to vector<16xi32>
      tpu.vector_store_idx %arg31[%broadcast_in_dim3A_469], %masked_cumsum3A masked %eq3A_391 : memref<512xf32, #tpu.memory_space<vmem>>[vector<16xi32>], vector<16xf32>, vector<16xi1>
    }
    %scan3A_397 = arith.constant 128 : i32
    "tpu.region"() ({
      %run_scoped3A = tpu.sem_alloc : memref<!tpu.dma_semaphore, #tpu.memory_space<semaphore_mem>>
      %dma_start3A_398 = tpu.memref_slice %arg13[%mul3A_2] : memref<16384xf32, #tpu.memory_space<hbm>> -> memref<512xf32, #tpu.memory_space<hbm>>
      %dma_start3A_399 = tpu.memref_slice %arg13[%mul3A_2] : memref<16384xf32, #tpu.memory_space<hbm>> -> memref<512xf32, #tpu.memory_space<hbm>>
      tpu.enqueue_dma source(%arg30 : memref<512xf32, #tpu.memory_space<vmem>>) target(%dma_start3A_399 : memref<512xf32, #tpu.memory_space<hbm>>) target_semaphore(%run_scoped3A : memref<!tpu.dma_semaphore, #tpu.memory_space<semaphore_mem>>)
      %dma_wait3A_400 = tpu.memref_slice %arg13[%mul3A_2] : memref<16384xf32, #tpu.memory_space<hbm>> -> memref<512xf32, #tpu.memory_space<hbm>>
      %dma_wait3A_401 = tpu.memref_slice %arg13[%mul3A_2] : memref<16384xf32, #tpu.memory_space<hbm>> -> memref<512xf32, #tpu.memory_space<hbm>>
      tpu.wait_dma2 semaphore(%run_scoped3A : memref<!tpu.dma_semaphore, #tpu.memory_space<semaphore_mem>>) src(%arg30 : memref<512xf32, #tpu.memory_space<vmem>>) dst(%dma_wait3A_401 : memref<512xf32, #tpu.memory_space<hbm>>)
      tpu.yield
    }) : () -> ()
    "tpu.region"() ({
      %run_scoped3A = tpu.sem_alloc : memref<!tpu.dma_semaphore, #tpu.memory_space<semaphore_mem>>
      %dma_start3A_398 = tpu.memref_slice %arg14[%mul3A_2] : memref<16384xf32, #tpu.memory_space<hbm>> -> memref<512xf32, #tpu.memory_space<hbm>>
      %dma_start3A_399 = tpu.memref_slice %arg14[%mul3A_2] : memref<16384xf32, #tpu.memory_space<hbm>> -> memref<512xf32, #tpu.memory_space<hbm>>
      tpu.enqueue_dma source(%arg31 : memref<512xf32, #tpu.memory_space<vmem>>) target(%dma_start3A_399 : memref<512xf32, #tpu.memory_space<hbm>>) target_semaphore(%run_scoped3A : memref<!tpu.dma_semaphore, #tpu.memory_space<semaphore_mem>>)
      %dma_wait3A_400 = tpu.memref_slice %arg14[%mul3A_2] : memref<16384xf32, #tpu.memory_space<hbm>> -> memref<512xf32, #tpu.memory_space<hbm>>
      %dma_wait3A_401 = tpu.memref_slice %arg14[%mul3A_2] : memref<16384xf32, #tpu.memory_space<hbm>> -> memref<512xf32, #tpu.memory_space<hbm>>
      tpu.wait_dma2 semaphore(%run_scoped3A : memref<!tpu.dma_semaphore, #tpu.memory_space<semaphore_mem>>) src(%arg31 : memref<512xf32, #tpu.memory_space<vmem>>) dst(%dma_wait3A_401 : memref<512xf32, #tpu.memory_space<hbm>>)
      tpu.yield
    }) : () -> ()
    return
  }
}

</mosaic_0001>

<sc_bundles>
// kernel: kernel.3.cloned.1.call-start
scs
__scs_entry_jumppad:
0x0: {  	(pc) =	sbr.rel $0x88, $3  }
0x1: {  	(tag) =	ssettag $0x0;
	lr =	simm.s32 $0x1  }
0x2: {  	[smem:$0x3F96] =	sst lr;
	_ =	strace $0xD0000000  }
0x3: {  	_ = 	snop  }
0x4: {  	_ = 	snop  }
0x5: {  	_ = 	snop  }
0x6: {  	_ = 	snop  }
0x7: {  	_ = 	snop  }
__scs_overlays_trampoline_lowered:
0x8: {  	[smem:$0x3FA5] =	sst s0  }
0x9: {  	[smem:$0x3FA6] =	sst s1  }
0xa: {  	[smem:$0x3FA7] =	sst s2  }
0xb: {  	[smem:$0x3FA8] =	sst s3  }
0xc: {  	[smem:$0x3FA9] =	sst s4  }
0xd: {  	[smem:$0x3FAA] =	sst s5  }
0xe: {  	[smem:$0x3FAB] =	sst s6  }
0xf: {  	[smem:$0x3FAC] =	sst s7  }
0x10: {  	[smem:$0x3FAD] =	sst s8  }
0x11: {  	[smem:$0x3FAE] =	sst s9;
	s0 =	simm.s32 @!p0 $0x0  }
0x12: {  	s1 =	sld [smem:$0x3F94];
	s0 =	simm.s32 @p0 $0x1  }
0x13: {  	[smem:$0x3FAF] =	sst s0;
	s0 =	simm.s32 @!p1 $0x0  }
0x14: {  	s2 =	sld [smem:$0x3F93];
	s0 =	simm.s32 @p1 $0x1  }
0x15: {  	[smem:$0x3FB0] =	sst s0;
	s0 =	simm.s32 @!p2 $0x0  }
0x16: {  	s3 =	sld [smem:$0x3FDB];
	s0 =	simm.s32 @p2 $0x1  }
0x17: {  	s4 =	simm.s32 $0x1BF5;
	[smem:$0x3FB2] =	sst s0  }
0x18: {  	s0 =	sld [smem:$0x3F95];
	_ =	swait.ge [sflag:s4], $0x0  }
0x19: {  	s7 =	sld [smem:$0x3F96]  }
0x1a: {  	s8 =	sadd.s32 $0xFFFFE003, lr  }
0x1b: {  	s9 =	sadd.s32 $0xFFFFFEF7, lr;
	s5 =	simm.s32 $0xFFFFFFFF;
	p2 =	slt.u32 s8, $0xFFFFF086  }
0x1c: {  	p1 =	slt.u32 s9, $0xF7A;
	s5 =	simm.s32 @!p2 $0x0  }
0x1d: {  	s5 =	simm.s32 @p1 $0x1;
	p0 =	seq.s32 s7, s2  }
0x1e: {  	s7 =	smul.u32 @!p0 $0xF7A, s2;
	p2 =	seq.s32 @!p0 s5, $0x0  }
0x1f: {  	s9 =	smul.u32 $0xF7A, s1;
	s8 =	simm.s32 @!p0 $0x1BF5;
	p2 =	por !p2, p0  }
0x20: {  	[sflag:s8] =	ssyncset.s32 @!p0 $0xFFFFF086;
	s6 =	sadd.s32 @!p0 s3, s7;
	s7 =	simm.s32 @!p0 $0x108  }
0x21: {  	s3 =	sadd.s32 s3, s9;
	s6 =	sadd.s32 @!p0 $0x88, s6;
	s7 =	simm.s32 @p2 $0x1082  }
0x22: {  	[simem:s7], [sflag:s8] =	dma.local @!p0 [hbm:s6], $0xF7A  }
0x23: {  	s9 =	sor.u32 $0xD0000000, s2;
	s6 =	simm.s32 $0x108;
	_ =	swait.ge @!p0 [sflag:s8], $0x0  }
0x24: {  	s3 =	sadd.s32 $0x88, s3;
	s6 =	simm.s32 @!p1 $0x1082;
	[sflag:s4] =	ssyncset.s32 $0xFFFFF086  }
0x25: {  	[simem:s6], [sflag:s4] =	dma.local [hbm:s3], $0xF7A  }
0x26: {  	[smem:$0x3F96] =	sst s1;
	(tag) =	ssettag s2;
	_ =	strace s9  }
0x27: {  	s1 =	sld [smem:$0x3FA6]  }
0x28: {  	s2 =	sld [smem:$0x3FA7]  }
0x29: {  	s4 =	sld [smem:$0x3FA9]  }
0x2a: {  	p0 =	seq.s32 s5, $0x0;
	s5 =	sld [smem:$0x3FAA]  }
0x2b: {  	s6 =	sld [smem:$0x3FAB]  }
0x2c: {  	s7 =	sld [smem:$0x3FAC]  }
0x2d: {  	s3 =	simm.s32 $0x108;
	s8 =	sld [smem:$0x3FAD]  }
0x2e: {  	s3 =	simm.s32 @!p0 $0x1082;
	s9 =	sld [smem:$0x3FAE]  }
0x2f: {  	lr =	sadd.s32 s0, s3;
	s0 =	sld [smem:$0x3FA5]  }
0x30: {  	s3 =	sld [smem:$0x3FA8]  }
0x31: {  	[smem:$0x3FB1] =	sst s10  }
0x32: {  	s10 =	sld [smem:$0x3FAF];
	_ =	sdelay $0x3  }
0x33: {  	p0 =	seq.s32 s10, $0x1;
	s10 =	sld [smem:$0x3FB1];
	_ =	sdelay $0x3  }
0x34: {  	[smem:$0x3FB1] =	sst s10  }
0x35: {  	s10 =	sld [smem:$0x3FB0];
	_ =	sdelay $0x3  }
0x36: {  	p1 =	seq.s32 s10, $0x1;
	s10 =	sld [smem:$0x3FB1];
	_ =	sdelay $0x3  }
0x37: {  	[smem:$0x3FB1] =	sst s10  }
0x38: {  	s10 =	sld [smem:$0x3FB2]  }
0x39: {  	_ = 	snop;
	(pc) =	sbr.ind lr, $3  }
0x3a: {  	_ = 	snop  }
0x3b: {  	_ = 	snop  }
0x3c: {  	p2 =	seq.s32 s10, $0x1;
	s10 =	sld [smem:$0x3FB1]  }
0x3d: {  	_ =	shalt  }
0x3e: {  	_ =	shalt  }
0x3f: {  	_ =	shalt  }
0x40: {  	_ =	shalt  }
0x41: {  	_ =	shalt  }
0x42: {  	_ =	shalt  }
0x43: {  	_ =	shalt  }
0x44: {  	_ =	shalt  }
0x45: {  	_ =	shalt  }
0x46: {  	_ =	shalt  }
0x47: {  	_ =	shalt  }
0x48: {  	_ =	shalt  }
0x49: {  	_ =	shalt  }
0x4a: {  	_ =	shalt  }
0x4b: {  	_ =	shalt  }
0x4c: {  	_ =	shalt  }
0x4d: {  	_ =	shalt  }
0x4e: {  	_ =	shalt  }
0x4f: {  	_ =	shalt  }
0x50: {  	_ =	shalt  }
0x51: {  	_ =	shalt  }
0x52: {  	_ =	shalt  }
0x53: {  	_ =	shalt  }
0x54: {  	_ =	shalt  }
0x55: {  	_ =	shalt  }
0x56: {  	_ =	shalt  }
0x57: {  	_ =	shalt  }
0x58: {  	_ =	shalt  }
0x59: {  	_ =	shalt  }
0x5a: {  	_ =	shalt  }
0x5b: {  	_ =	shalt  }
0x5c: {  	_ =	shalt  }
0x5d: {  	_ =	shalt  }
0x5e: {  	_ =	shalt  }
0x5f: {  	_ =	shalt  }
0x60: {  	_ =	shalt  }
0x61: {  	_ =	shalt  }
0x62: {  	_ =	shalt  }
0x63: {  	_ =	shalt  }
0x64: {  	_ =	shalt  }
0x65: {  	_ =	shalt  }
0x66: {  	_ =	shalt  }
0x67: {  	_ =	shalt  }
0x68: {  	_ =	shalt  }
0x69: {  	_ =	shalt  }
0x6a: {  	_ =	shalt  }
0x6b: {  	_ =	shalt  }
0x6c: {  	_ =	shalt  }
0x6d: {  	_ =	shalt  }
0x6e: {  	_ =	shalt  }
0x6f: {  	_ =	shalt  }
0x70: {  	_ =	shalt  }
0x71: {  	_ =	shalt  }
0x72: {  	_ =	shalt  }
0x73: {  	_ =	shalt  }
0x74: {  	_ =	shalt  }
0x75: {  	_ =	shalt  }
0x76: {  	_ =	shalt  }
0x77: {  	_ =	shalt  }
0x78: {  	_ =	shalt  }
0x79: {  	_ =	shalt  }
0x7a: {  	_ =	shalt  }
0x7b: {  	_ =	shalt  }
0x7c: {  	_ =	shalt  }
0x7d: {  	_ =	shalt  }
0x7e: {  	_ =	shalt  }
0x7f: {  	_ =	shalt  }
0x80: {  	_ =	shalt  }
0x81: {  	_ =	shalt  }
0x82: {  	_ =	shalt  }
0x83: {  	_ =	shalt  }
0x84: {  	_ =	shalt  }
0x85: {  	_ =	shalt  }
0x86: {  	_ =	shalt  }
0x87: {  	_ =	shalt  }
.Lfunc_end0:
.L_simem_size_0:
called_computation_lowered:
.L_overlay_start_0:
0x88: {  	s2 =	sld [smem:$0x3FD9]  }
0x89: {  	s3 =	sld [smem:$0x3FFE];
	_ =	sdelay $0x1  }
0x8a: {  	s1 =	srdreg.scid  }
0x8b: {  	s0 =	sand.u32 $0x1, s1  }
0x8c: {  	s30 =	sshll.u32 s0, $0xA;
	s2 =	sadd.s32 s3, s2  }
0x8d: {  	s2 =	sadd.s32 s2, s30  }
0x8e: {  	[smem:$0x3FBD] =	sst s2  }
0x8f: {  	_ = 	snop  }
0x90: {  	s2 =	sld [smem:$0x3FC9]  }
0x91: {  	s31 =	sld [smem:$0x3FC8]  }
0x92: {  	s4 =	sld [smem:$0x3FC7]  }
0x93: {  	s5 =	sld [smem:$0x3FC6]  }
0x94: {  	s6 =	sld [smem:$0x3FD0]  }
0x95: {  	s7 =	sld [smem:$0x3FC5]  }
0x96: {  	s8 =	sld [smem:$0x3FC4]  }
0x97: {  	s10 =	simm.s32 $0xA;
	s11 =	simm.s32 $0x10;
	s9 =	sld [smem:$0x3FC3]  }
0x98: {  	[smem:s11], [sflag:s10] =	dma.local [hbm:s6], $0x1  }
0x99: {  	_ =	swait.eq [sflag:s10], $0x1  }
0x9a: {  	[sflag:s10] =	ssyncset.done $0x0  }
0x9b: {  	s16 =	sld [smem:$0x10];
	[sflag:s10] =	ssyncadd.s32 $0xFFFFFFFF  }
0x9c: {  	s17 =	sld [smem:$0x11];
	(tm) =	ssettm $0x1  }
0x9d: {  	s18 =	sld [smem:$0x3FFB];
	_ =	sdelay $0x3  }
0x9e: {  	_ =	strace s18  }
0x9f: {  	s11 =	sld [smem:$0x3FFC];
	_ =	sdelay $0x3  }
0xa0: {  	_ =	strace s11  }
0xa1: {  	s11 =	sld [smem:$0x3FFD];
	_ =	sdelay $0x3  }
0xa2: {  	_ =	strace s11  }
0xa3: {  	_ =	strace $0x8FFFFFFF  }
0xa4: {  	s19 =	sld [smem:$0x3FDB];
	_ =	sdelay $0x1  }
0xa5: {  	s12 =	simm.s32 $_scs_section_size  }
0xa6: {  	s13 =	simm.s32 $_size__tile_overlayer_lowered;
	s14 =	simm.s32 $_tile_overlayer_lowered  }
0xa7: {  	s22 =	simm.s32 $0x1BFF;
	s21 =	sshll.u32 s14, $0x1;
	s11 =	sadd.s32 s12, s19  }
0xa8: {  	s15 =	simm.s32 $0x0;
	s20 =	sshll.u32 s13, $0x1;
	s13 =	sadd.s32 s21, s11  }
0xa9: {  	[timem:s15], [sflag:s22] =	dma.local [hbm:s13], s20  }
0xaa: {  	_ =	swait.ge [sflag:s22], s20  }
0xab: {  	s12 =	ssub.s32 $0x0, s20;
	[sflag:s22] =	ssyncset.done $0x0  }
0xac: {  	[sflag:s22] =	ssyncadd.s32 s12;
	_ =	sdelay $0x1  }
0xad: {  	s23 =	simm.s32 $0x1B8B  }
0xae: {  	_ =	swait.ge [sflag:s23], $0x1  }
0xaf: {  	[sflag:s23] =	ssyncset.done $0x0  }
0xb0: {  	s25 =	simm.s32 $0x1B8E;
	s24 =	sld [smem:$0x3FFE];
	[sflag:s23] =	ssyncadd.s32 $0xFFFFFFFF  }
0xb1: {  	s26 =	simm.s32 $execute0_lowered;
	[smem:$0x3FD2] =	sst s25  }
0xb2: {  	s13 =	sshll.u32 s26, $0x1;
	_ =	strace $0x80000046;
	[dreg:$0x1] =	wrdreg $0xFFFFFFFF  }
0xb3: {  	s28 =	simm.s32 $_size_execute0_lowered;
	s11 =	sadd.s32 s11, s13;
	[dreg:$0x0] =	wrdreg $0x0  }
0xb4: {  	s13 =	sshll.u32 s28, $0x1;
	[dreg:$0x2] =	wrdreg s11  }
0xb5: {  	[dreg:$0x3] =	wrdreg s13  }
0xb6: {  	[dreg:$0x4] =	wrdreg $0xC0  }
0xb7: {  	_ =	task [dreg:s15], $0x5FFFF  }
0xb8: {  	[dreg:$0x1] =	wrdreg $0xFFFFFFFF  }
0xb9: {  	[dreg:$0x0] =	wrdreg $0x60  }
0xba: {  	[dreg:$0x2] =	wrdreg s2  }
0xbb: {  	[dreg:$0x3] =	wrdreg s31  }
0xbc: {  	[dreg:$0x4] =	wrdreg s4  }
0xbd: {  	[dreg:$0x5] =	wrdreg s5  }
0xbe: {  	[dreg:$0x6] =	wrdreg s7  }
0xbf: {  	[dreg:$0x7] =	wrdreg s8  }
0xc0: {  	[dreg:$0x8] =	wrdreg s9  }
0xc1: {  	[dreg:$0x9] =	wrdreg s24  }
0xc2: {  	[dreg:$0xa] =	wrdreg s16  }
0xc3: {  	[dreg:$0xb] =	wrdreg s17  }
0xc4: {  	[dreg:$0xc] =	wrdreg $0x9  }
0xc5: {  	_ =	task.clear_ibuf [dreg:s15], $0xDFFFF;
	_ =	strace $0x90000046  }
0xc6: {  	s29 =	simm.s32 $0x9;
	_ =	strace $0x80000048  }
0xc7: {  	_ =	swait.ge [sflag:s29], $0x1  }
0xc8: {  	[sflag:s29] =	ssyncadd.s32 $0xFFFFFFFF  }
0xc9: {  	_ =	strace $0x90000048  }
0xca: {  	_ =	sfence  }
0xcb: {  	s30 =	sld [smem:$0x0];
	_ =	sdelay $0x2  }
0xcc: {  	s31 =	sshll.u32 s1, $0xD;
	s1 =	sshrl.u32 s1, $0x2  }
0xcd: {  	s3 =	sand.u32 $0x4000, s31;
	s1 =	sadd.s32 s1, s30  }
0xce: {  	s0 =	sor.u32 s3, s0;
	s1 =	sshll.u32 s1, $0x11  }
0xcf: {  	s0 =	sor.u32 s1, s0  }
0xd0: {  	s0 =	sadd.s32 $0x8F2B, s0  }
0xd1: {  	[sflag:s0] =	ssyncadd.remote.s32 $0x1  }
0xd2: {  	_ =	sfence.sel $0xFFFF  }
0xd3: {  	[dreg:$0x0] =	wrdreg $0xFFFFFFFF;
	(pc) =	sbr.abs _section_cstart, $3  }
0xd4: {  	[dreg:$0x1] =	wrdreg $0xFFFFFFFF  }
0xd5: {  	_ =	task.clear_ibuf [dreg:s15], $0x2FFFF;
	_ =	strace $0x9FFFFFFF  }
0xd6: {  	(tm) =	ssettm $0x7FFFFFFF  }
0xd7: {  	_ =	shalt  }
tec
execute0_lowered:
.L_overlay_start_1:
0x0: {  	(tag) =	ssettag $0x1  }
0x1: {  	s0 =	rddreg [dreg:$0x0]  }
0x2: {  	s2 =	rddreg [dreg:$0x1]  }
0x3: {  	s6 =	rddreg [dreg:$0x2]  }
0x4: {  	s7 =	rddreg [dreg:$0x3]  }
0x5: {  	s8 =	rddreg [dreg:$0x4]  }
0x6: {  	s9 =	rddreg [dreg:$0x5]  }
0x7: {  	s10 =	rddreg [dreg:$0x6]  }
0x8: {  	s5 =	rddreg [dreg:$0x7]  }
0x9: {  	s11 =	rddreg [dreg:$0x8]  }
0xa: {  	s12 =	rddreg [dreg:$0x9];
	s1 =	simm.s32 $0x0;
	s4 =	srdreg.scid  }
0xb: {  	s16 =	stileid.u32;
	s19 =	simm.s32 $0x600;
	s28 =	simm.s32 $0x6E00  }
0xc: {  	s29 =	simm.s32 $0x1;
	s30 =	simm.s32 $0x8E00;
	s31 =	simm.s32 $0xCE00  }
0xd: {  	s17 =	simm.s32 $0xEE00;
	s18 =	simm.s32 $0x10E00;
	[smem:$0x7FF] =	sst s1  }
0xe: {  	s3 =	sadd.s32 $0xF43000, s5;
	s13 =	sand.u32 $0x1, s4;
	s4 =	sadd.s32 $0x2C00, s5  }
0xf: {  	s16 =	sshll.u32 s16, $0x7;
	s14 =	ssub.s32 $0x2, s13;
	s13 =	sshll.u32 s13, $0x6  }
0x10: {  	s5 =	sadd.s32 $0xC00, s5;
	_ =	strace $0x80000047;
	s20 =	sor.u32 s13, s16  }
0x11: {  	s15 =	sshrl.u32 s14, $0x1;
	s16 =	simm.s32 $0x3;
	s0 =	sadd.s32 s0, s20  }
0x12: {  	s15 =	ssub.s32 s14, s15;
	s21 =	sadd.s32 s2, s20;
	[dreg:$0xb] =	wrdreg s0  }
0x13: {  	s22 =	sadd.s32 s6, s20;
	s23 =	sadd.s32 s7, s20;
	[dreg:$0xc] =	wrdreg s21  }
0x14: {  	s24 =	sadd.s32 s8, s20;
	s25 =	sadd.s32 s9, s20;
	[dreg:$0xd] =	wrdreg s22  }
0x15: {  	s26 =	sadd.s32 s10, s20;
	s13 =	sadd.s32 s11, s20;
	[dreg:$0xe] =	wrdreg s23  }
0x16: {  	s14 =	sadd.s32 s12, s20;
	s20 =	simm.s32 $0x2;
	[dreg:$0xf] =	wrdreg s24  }
0x17: {  	s6 =	simm.s32 $0x11000;
	s7 =	simm.s32 $0x0;
	[dreg:$0x10] =	wrdreg s25  }
0x18: {  	[dreg:$0x11] =	wrdreg s26;
	s15 =	smax.u32 s15, $0x1;
	s23 =	simm.s32 $0x80  }
0x19: {  	s24 =	simm.s32 $0xE00;
	s25 =	simm.s32 $0x2E00;
	s26 =	simm.s32 $0x4E00  }
0x1a: {  	vm0 =	vcmask $0x3F3C;
	s0 =	simm.s32 $0xAE00;
	s21 =	simm.s32 $0x700;
	s22 =	simm.s32 $0x780  }
.LBB2_1:
0x1b: {  	s2 =	rddreg [dreg:$0xb]  }
0x1c: {  	[tilespmem:s1], [sflag:$0x3] =	stream.linear.gather [hbm4b:s2+s1], $0x200, $0x38;
	[tilespmem:$0x11200] =	vst v63  }
0x1d: {  	_ =	swait.ge [sflag:s16], $0x200  }
0x1e: {  	[sflag:s16] =	ssyncset.done $0x0  }
0x1f: {  	s8 =	simm.s32 $0x200;
	s9 =	rddreg [dreg:$0xc];
	[sflag:s16] =	ssyncadd.s32 $0xFFFFFE00  }
0x20: {  	[tilespmem:s8], [sflag:$0x3] =	stream.linear.gather [hbm4b:s9+s1], $0x200, $0x38;
	[tilespmem:$0x11200] =	vst v63  }
0x21: {  	_ =	swait.ge [sflag:s16], $0x200  }
0x22: {  	[sflag:s16] =	ssyncset.done $0x0  }
0x23: {  	s9 =	simm.s32 $0x400;
	s10 =	rddreg [dreg:$0xd];
	[sflag:s16] =	ssyncadd.s32 $0xFFFFFE00  }
0x24: {  	[tilespmem:s9], [sflag:$0x3] =	stream.linear.gather [hbm4b:s10+s1], $0x200, $0x38;
	[tilespmem:$0x11200] =	vst v63  }
0x25: {  	_ =	swait.ge [sflag:s16], $0x200  }
0x26: {  	[sflag:s16] =	ssyncset.done $0x0  }
0x27: {  	s11 =	rddreg [dreg:$0xe];
	[sflag:s16] =	ssyncadd.s32 $0xFFFFFE00  }
0x28: {  	[tilespmem:s19], [sflag:$0x3] =	stream.linear.gather [hbm4b:s11+s1], $0x200, $0x38;
	[tilespmem:$0x11200] =	vst v63  }
0x29: {  	_ =	swait.ge [sflag:s16], $0x200  }
0x2a: {  	[sflag:s16] =	ssyncset.done $0x0  }
0x2b: {  	s10 =	simm.s32 $0x800;
	s12 =	rddreg [dreg:$0xf];
	[sflag:s16] =	ssyncadd.s32 $0xFFFFFE00  }
0x2c: {  	[tilespmem:s10], [sflag:$0x3] =	stream.linear.gather [hbm4b:s12+s1], $0x200, $0x38;
	[tilespmem:$0x11200] =	vst v63  }
0x2d: {  	_ =	swait.ge [sflag:s16], $0x200  }
0x2e: {  	[sflag:s16] =	ssyncset.done $0x0  }
0x2f: {  	s12 =	simm.s32 $0xA00;
	s11 =	rddreg [dreg:$0x10];
	[sflag:s16] =	ssyncadd.s32 $0xFFFFFE00  }
0x30: {  	[tilespmem:s12], [sflag:$0x3] =	stream.linear.gather [hbm4b:s11+s1], $0x200, $0x38;
	[tilespmem:$0x11200] =	vst v63  }
0x31: {  	_ =	swait.ge [sflag:s16], $0x200  }
0x32: {  	[sflag:s16] =	ssyncset.done $0x0  }
0x33: {  	s12 =	simm.s32 $0xC00;
	s11 =	rddreg [dreg:$0x11];
	[sflag:s16] =	ssyncadd.s32 $0xFFFFFE00  }
0x34: {  	[tilespmem:s12], [sflag:$0x3] =	stream.linear.gather [hbm4b:s11+s1], $0x200, $0x38;
	[tilespmem:$0x11200] =	vst v63  }
0x35: {  	_ =	swait.ge [sflag:s16], $0x200  }
0x36: {  	[sflag:s16] =	ssyncset.done $0x0  }
0x37: {  	[sflag:s16] =	ssyncadd.s32 $0xFFFFFE00  }
0x38: {  	[tilespmem:s24], [sflag:$0x1] =	stream.indirect.gather [hbm4b:s3+s23], $0x40, s1, s23, $0xb8;
	[tilespmem:$0x11200] =	vst v63  }
0x39: {  	_ = 	snop  }
0x3a: {  	[tilespmem:s25], [sflag:$0x1] =	stream.indirect.gather [hbm4b:s4+s23], $0x40, s8, s23, $0xb8;
	[tilespmem:$0x11200] =	vst v63  }
0x3b: {  	_ = 	snop  }
0x3c: {  	[tilespmem:s26], [sflag:$0x1] =	stream.indirect.gather [hbm4b:s5+s23], $0x40, s19, s23, $0xb8;
	[tilespmem:$0x11200] =	vst v63  }
0x3d: {  	_ = 	snop  }
0x3e: {  	[tilespmem:s28], [sflag:$0x1] =	stream.indirect.gather [hbm4b:s3+s23], $0x40, s9, s23, $0xb8;
	[tilespmem:$0x11200] =	vst v63  }
0x3f: {  	_ =	swait.ge [sflag:s29], $0x2000  }
0x40: {  	[sflag:s29] =	ssyncset.done $0x0  }
0x41: {  	[sflag:s29] =	ssyncadd.s32 $0xFFFFE000  }
0x42: {  	_ =	swait.ge [sflag:s29], $0x2000  }
0x43: {  	[sflag:s29] =	ssyncset.done $0x0  }
0x44: {  	[sflag:s29] =	ssyncadd.s32 $0xFFFFE000  }
0x45: {  	_ =	swait.ge [sflag:s29], $0x2000  }
0x46: {  	[sflag:s29] =	ssyncset.done $0x0  }
0x47: {  	[sflag:s29] =	ssyncadd.s32 $0xFFFFE000  }
0x48: {  	_ =	swait.ge [sflag:s29], $0x2000  }
0x49: {  	[sflag:s29] =	ssyncset.done $0x0  }
0x4a: {  	[sflag:s29] =	ssyncadd.s32 $0xFFFFE000  }
0x4b: {  	[tilespmem:s30], [sflag:$0x2] =	stream.indirect.gather [hbm4b:s3+s23], $0x40, s23, s23, $0xb8;
	[tilespmem:$0x11200] =	vst v63  }
0x4c: {  	s10 =	simm.s32 $0x280  }
0x4d: {  	[tilespmem:s0], [sflag:$0x2] =	stream.indirect.gather [hbm4b:s4+s23], $0x40, s10, s23, $0xb8;
	[tilespmem:$0x11200] =	vst v63  }
0x4e: {  	s11 =	simm.s32 $0x680  }
0x4f: {  	[tilespmem:s31], [sflag:$0x2] =	stream.indirect.gather [hbm4b:s5+s23], $0x40, s11, s23, $0xb8;
	[tilespmem:$0x11200] =	vst v63  }
0x50: {  	s12 =	simm.s32 $0x480;
	s8 =	simm.s32 $0x6E20  }
0x51: {  	[tilespmem:s17], [sflag:$0x2] =	stream.indirect.gather [hbm4b:s3+s23], $0x40, s12, s23, $0xb8;
	[tilespmem:$0x11200] =	vst v63  }
0x52: {  	s10 =	simm.s32 $0x4E20;
	v0 =	vld [tilespmem:s8+$0xFFFFFFE0]  }
0x53: {  	s11 =	simm.s32 $0xE20;
	v1 =	vld [tilespmem:s10+$0x0]  }
0x54: {  	v2 =	vld [tilespmem:s11+$0x10]  }
0x55: {  	v3 =	vld [tilespmem:s10+$0xFFFFFFE0]  }
0x56: {  	s12 =	simm.s32 $0x2E20;
	v4 =	vld [tilespmem:s11+$0x0]  }
0x57: {  	v5 =	vld [tilespmem:s12+$0xFFFFFFE0]  }
0x58: {  	v6 =	vld [tilespmem:s11+$0xFFFFFFE0]  }
0x59: {  	v7 =	vld [tilespmem:s11+$0xFFFFFFF0]  }
0x5a: {  	s2 =	simm.s32 $0x1;
	s9 =	simm.s32 $0x0;
	v8 =	vld [tilespmem:s12+$0xFFFFFFF0]  }
.LBB2_2:
0x5b: {  	p0 =	sne.s32 s2, $0x7F;
	v9 =	vld [tilespmem:s12+$0x0]  }
0x5c: {  	v10 =	vld [tilespmem:s10+$0xFFFFFFF0]  }
0x5d: {  	v11 =	vld [tilespmem:s12+$0x10]  }
0x5e: {  	v12 =	vld [tilespmem:s8+$0xFFFFFFF0]  }
0x5f: {  	v5 =	vadd.f32 v5, v6;
	v6 =	vadd.f32 v8, v7;
	v7 =	vld [tilespmem:s10+$0x10]  }
0x60: {  	v4 =	vadd.f32 v9, v4;
	v8 =	vld [tilespmem:s8+$0x0]  }
0x61: {  	v3 =	vadd.f32 v3, v5;
	v5 =	vadd.f32 v10, v6  }
0x62: {  	v1 =	vadd.f32 v1, v4;
	v2 =	vadd.f32 v11, v2;
	v4 =	vld [tilespmem:s8+$0x10]  }
0x63: {  	v0 =	vsub.f32 v3, v0;
	v3 =	vsub.f32 v5, v12  }
0x64: {  	v2 =	vadd.f32 v7, v2  }
0x65: {  	v0 =	vand.u32 $0x7FFFFFFF, v0;
	v3 =	vand.u32 $0x7FFFFFFF, v3;
	v1 =	vsub.f32 v1, v8  }
0x66: {  	v0 =	vadd.f32 v3, v0  }
0x67: {  	v1 =	vand.u32 $0x7FFFFFFF, v1;
	v2 =	vsub.f32 v2, v4  }
0x68: {  	v0 =	vadd.f32 v1, v0  }
0x69: {  	v1 =	vand.u32 $0x7FFFFFFF, v2  }
0x6a: {  	v0 =	vadd.f32 v1, v0;
	_ =	sdelay $0x1  }
0x6b: {  	(xrf2) =	vadd.scan.msk.f32 $0xffff, v0;
	_ =	sdelay $0x5  }
0x6c: {  	v0 =	vmov s9;
	s9 =	smov.u32 s2;
	_ =	sdelay $0x3  }
0x6d: {  	v1, _, _ =	vpop (xrf2)  }
0x6e: {  	s8 =	sadd.s32 $0x40, s8;
	[tilespmem:v0+s18+$0x0] =	vst.idx.msk vm0, v1  }
0x6f: {  	s10 =	sadd.s32 $0x40, s10;
	v0 =	vld [tilespmem:s8+$0xFFFFFFE0]  }
0x70: {  	s11 =	sadd.s32 $0x40, s11;
	v1 =	vld [tilespmem:s10+$0x0]  }
0x71: {  	v2 =	vld [tilespmem:s11+$0x10]  }
0x72: {  	v3 =	vld [tilespmem:s10+$0xFFFFFFE0]  }
.Ltmp0:
0x73: {  	s12 =	sadd.s32 $0x40, s12;
	v4 =	vld [tilespmem:s11+$0x0];
	(pc) =	sbr.rel @p0 .LBB2_2-.Ltmp0, $4  }
0x74: {  	v5 =	vld [tilespmem:s12+$0xFFFFFFE0]  }
0x75: {  	v6 =	vld [tilespmem:s11+$0xFFFFFFE0]  }
0x76: {  	v7 =	vld [tilespmem:s11+$0xFFFFFFF0]  }
0x77: {  	s2 =	sadd.s32 $0x1, s2;
	v8 =	vld [tilespmem:s12+$0xFFFFFFF0]  }
0x78: {  	v9 =	vld [tilespmem:s12+$0x0]  }
0x79: {  	v10 =	vld [tilespmem:s10+$0xFFFFFFF0]  }
0x7a: {  	v11 =	vld [tilespmem:s12+$0x10]  }
0x7b: {  	v12 =	vld [tilespmem:s8+$0xFFFFFFF0];
	v5 =	vadd.f32 v5, v6  }
0x7c: {  	v6 =	vadd.f32 v8, v7;
	v7 =	vld [tilespmem:s10+$0x10]  }
0x7d: {  	v8 =	vld [tilespmem:s8+$0x0];
	v3 =	vadd.f32 v3, v5;
	v4 =	vadd.f32 v9, v4  }
0x7e: {  	v5 =	vadd.f32 v10, v6  }
0x7f: {  	v0 =	vsub.f32 v3, v0;
	v1 =	vadd.f32 v1, v4;
	v4 =	vld [tilespmem:s8+$0x10]  }
0x80: {  	v2 =	vadd.f32 v11, v2;
	v3 =	vsub.f32 v5, v12  }
0x81: {  	v0 =	vand.u32 $0x7FFFFFFF, v0  }
0x82: {  	v2 =	vadd.f32 v7, v2;
	v1 =	vsub.f32 v1, v8;
	v3 =	vand.u32 $0x7FFFFFFF, v3  }
0x83: {  	v0 =	vadd.f32 v3, v0  }
0x84: {  	v1 =	vand.u32 $0x7FFFFFFF, v1;
	v2 =	vsub.f32 v2, v4  }
0x85: {  	v0 =	vadd.f32 v1, v0  }
0x86: {  	v1 =	vand.u32 $0x7FFFFFFF, v2  }
0x87: {  	v0 =	vadd.f32 v1, v0;
	_ =	sdelay $0x1  }
0x88: {  	(xrf2) =	vadd.scan.msk.f32 $0xffff, v0;
	_ =	sdelay $0x5  }
0x89: {  	v0 =	vmov s9;
	_ =	sdelay $0x3  }
0x8a: {  	v1, _, _ =	vpop (xrf2)  }
0x8b: {  	[tilespmem:v0+s18+$0x0] =	vst.idx.msk vm0, v1  }
0x8c: {  	_ =	swait.ge [sflag:s20], $0x2000  }
0x8d: {  	[sflag:s20] =	ssyncset.done $0x0  }
0x8e: {  	[sflag:s20] =	ssyncadd.s32 $0xFFFFE000  }
0x8f: {  	_ =	swait.ge [sflag:s20], $0x2000  }
0x90: {  	[sflag:s20] =	ssyncset.done $0x0  }
0x91: {  	[sflag:s20] =	ssyncadd.s32 $0xFFFFE000  }
0x92: {  	_ =	swait.ge [sflag:s20], $0x2000  }
0x93: {  	[sflag:s20] =	ssyncset.done $0x0  }
0x94: {  	[sflag:s20] =	ssyncadd.s32 $0xFFFFE000  }
0x95: {  	_ =	swait.ge [sflag:s20], $0x2000  }
0x96: {  	[sflag:s20] =	ssyncset.done $0x0  }
0x97: {  	s2 =	simm.s32 $0x100;
	s8 =	simm.s32 $0x80;
	[sflag:s20] =	ssyncadd.s32 $0xFFFFE000  }
0x98: {  	[tilespmem:s24], [sflag:$0x1] =	stream.indirect.gather [hbm4b:s3+s8], $0x40, s2, s8, $0xb8;
	[tilespmem:$0x11200] =	vst v63  }
0x99: {  	s11 =	simm.s32 $0x300  }
0x9a: {  	[tilespmem:s25], [sflag:$0x1] =	stream.indirect.gather [hbm4b:s4+s8], $0x40, s11, s8, $0xb8;
	[tilespmem:$0x11200] =	vst v63  }
0x9b: {  	_ = 	snop  }
0x9c: {  	[tilespmem:s26], [sflag:$0x1] =	stream.indirect.gather [hbm4b:s5+s8], $0x40, s21, s8, $0xb8;
	[tilespmem:$0x11200] =	vst v63  }
0x9d: {  	s12 =	simm.s32 $0x500;
	s9 =	simm.s32 $0xEE20  }
0x9e: {  	[tilespmem:s28], [sflag:$0x1] =	stream.indirect.gather [hbm4b:s3+s8], $0x40, s12, s8, $0xb8;
	[tilespmem:$0x11200] =	vst v63  }
0x9f: {  	s10 =	simm.s32 $0xCE20;
	v0 =	vld [tilespmem:s9+$0xFFFFFFE0]  }
0xa0: {  	s11 =	simm.s32 $0x8E20;
	v1 =	vld [tilespmem:s10+$0x0]  }
0xa1: {  	v2 =	vld [tilespmem:s11+$0x10]  }
0xa2: {  	v3 =	vld [tilespmem:s10+$0xFFFFFFE0]  }
0xa3: {  	s12 =	simm.s32 $0xAE20;
	v4 =	vld [tilespmem:s11+$0x0]  }
0xa4: {  	v5 =	vld [tilespmem:s12+$0xFFFFFFE0]  }
0xa5: {  	v6 =	vld [tilespmem:s11+$0xFFFFFFE0]  }
0xa6: {  	v7 =	vld [tilespmem:s11+$0xFFFFFFF0]  }
0xa7: {  	s2 =	simm.s32 $0x81;
	v8 =	vld [tilespmem:s12+$0xFFFFFFF0]  }
.LBB2_4:
0xa8: {  	p0 =	sne.s32 s2, $0xFF;
	v9 =	vld [tilespmem:s12+$0x0]  }
0xa9: {  	v10 =	vld [tilespmem:s10+$0xFFFFFFF0]  }
0xaa: {  	v11 =	vld [tilespmem:s12+$0x10]  }
0xab: {  	v12 =	vld [tilespmem:s9+$0xFFFFFFF0]  }
0xac: {  	v5 =	vadd.f32 v5, v6;
	v6 =	vadd.f32 v8, v7;
	v7 =	vld [tilespmem:s10+$0x10]  }
0xad: {  	v4 =	vadd.f32 v9, v4;
	v8 =	vld [tilespmem:s9+$0x0]  }
0xae: {  	v3 =	vadd.f32 v3, v5;
	v5 =	vadd.f32 v10, v6  }
0xaf: {  	v1 =	vadd.f32 v1, v4;
	v2 =	vadd.f32 v11, v2;
	v4 =	vld [tilespmem:s9+$0x10]  }
0xb0: {  	v0 =	vsub.f32 v3, v0;
	v3 =	vsub.f32 v5, v12  }
0xb1: {  	v2 =	vadd.f32 v7, v2  }
0xb2: {  	v0 =	vand.u32 $0x7FFFFFFF, v0;
	v3 =	vand.u32 $0x7FFFFFFF, v3;
	v1 =	vsub.f32 v1, v8  }
0xb3: {  	v0 =	vadd.f32 v3, v0  }
0xb4: {  	v1 =	vand.u32 $0x7FFFFFFF, v1;
	v2 =	vsub.f32 v2, v4  }
0xb5: {  	v0 =	vadd.f32 v1, v0  }
0xb6: {  	v1 =	vand.u32 $0x7FFFFFFF, v2  }
0xb7: {  	v0 =	vadd.f32 v1, v0;
	_ =	sdelay $0x1  }
0xb8: {  	(xrf2) =	vadd.scan.msk.f32 $0xffff, v0;
	_ =	sdelay $0x5  }
0xb9: {  	v0 =	vmov s8;
	s8 =	smov.u32 s2;
	_ =	sdelay $0x3  }
0xba: {  	v1, _, _ =	vpop (xrf2)  }
0xbb: {  	s9 =	sadd.s32 $0x40, s9;
	[tilespmem:v0+s18+$0x0] =	vst.idx.msk vm0, v1  }
0xbc: {  	s10 =	sadd.s32 $0x40, s10;
	v0 =	vld [tilespmem:s9+$0xFFFFFFE0]  }
0xbd: {  	s11 =	sadd.s32 $0x40, s11;
	v1 =	vld [tilespmem:s10+$0x0]  }
0xbe: {  	v2 =	vld [tilespmem:s11+$0x10]  }
0xbf: {  	v3 =	vld [tilespmem:s10+$0xFFFFFFE0]  }
.Ltmp1:
0xc0: {  	s12 =	sadd.s32 $0x40, s12;
	v4 =	vld [tilespmem:s11+$0x0];
	(pc) =	sbr.rel @p0 .LBB2_4-.Ltmp1, $4  }
0xc1: {  	v5 =	vld [tilespmem:s12+$0xFFFFFFE0]  }
0xc2: {  	v6 =	vld [tilespmem:s11+$0xFFFFFFE0]  }
0xc3: {  	v7 =	vld [tilespmem:s11+$0xFFFFFFF0]  }
0xc4: {  	s2 =	sadd.s32 $0x1, s2;
	v8 =	vld [tilespmem:s12+$0xFFFFFFF0]  }
0xc5: {  	v9 =	vld [tilespmem:s12+$0x0]  }
0xc6: {  	v10 =	vld [tilespmem:s10+$0xFFFFFFF0]  }
0xc7: {  	v11 =	vld [tilespmem:s12+$0x10]  }
0xc8: {  	v12 =	vld [tilespmem:s9+$0xFFFFFFF0];
	v5 =	vadd.f32 v5, v6  }
0xc9: {  	v6 =	vadd.f32 v8, v7;
	v7 =	vld [tilespmem:s10+$0x10]  }
0xca: {  	v8 =	vld [tilespmem:s9+$0x0];
	v3 =	vadd.f32 v3, v5;
	v4 =	vadd.f32 v9, v4  }
0xcb: {  	v5 =	vadd.f32 v10, v6  }
0xcc: {  	v0 =	vsub.f32 v3, v0;
	v1 =	vadd.f32 v1, v4;
	v4 =	vld [tilespmem:s9+$0x10]  }
0xcd: {  	v2 =	vadd.f32 v11, v2;
	v3 =	vsub.f32 v5, v12  }
0xce: {  	v0 =	vand.u32 $0x7FFFFFFF, v0  }
0xcf: {  	v2 =	vadd.f32 v7, v2;
	v1 =	vsub.f32 v1, v8;
	v3 =	vand.u32 $0x7FFFFFFF, v3  }
0xd0: {  	v0 =	vadd.f32 v3, v0  }
0xd1: {  	v1 =	vand.u32 $0x7FFFFFFF, v1;
	v2 =	vsub.f32 v2, v4  }
0xd2: {  	v0 =	vadd.f32 v1, v0  }
0xd3: {  	v1 =	vand.u32 $0x7FFFFFFF, v2  }
0xd4: {  	v0 =	vadd.f32 v1, v0;
	_ =	sdelay $0x1  }
0xd5: {  	(xrf2) =	vadd.scan.msk.f32 $0xffff, v0;
	_ =	sdelay $0x5  }
0xd6: {  	v0 =	vmov s8;
	_ =	sdelay $0x3  }
0xd7: {  	v1, _, _ =	vpop (xrf2)  }
0xd8: {  	[tilespmem:v0+s18+$0x0] =	vst.idx.msk vm0, v1  }
0xd9: {  	_ =	swait.ge [sflag:s29], $0x2000  }
0xda: {  	[sflag:s29] =	ssyncset.done $0x0  }
0xdb: {  	[sflag:s29] =	ssyncadd.s32 $0xFFFFE000  }
0xdc: {  	_ =	swait.ge [sflag:s29], $0x2000  }
0xdd: {  	[sflag:s29] =	ssyncset.done $0x0  }
0xde: {  	[sflag:s29] =	ssyncadd.s32 $0xFFFFE000  }
0xdf: {  	_ =	swait.ge [sflag:s29], $0x2000  }
0xe0: {  	[sflag:s29] =	ssyncset.done $0x0  }
0xe1: {  	[sflag:s29] =	ssyncadd.s32 $0xFFFFE000  }
0xe2: {  	_ =	swait.ge [sflag:s29], $0x2000  }
0xe3: {  	[sflag:s29] =	ssyncset.done $0x0  }
0xe4: {  	s2 =	simm.s32 $0x180;
	[sflag:s29] =	ssyncadd.s32 $0xFFFFE000  }
0xe5: {  	[tilespmem:s30], [sflag:$0x2] =	stream.indirect.gather [hbm4b:s3+s23], $0x40, s2, s23, $0xb8;
	[tilespmem:$0x11200] =	vst v63  }
0xe6: {  	s11 =	simm.s32 $0x380  }
0xe7: {  	[tilespmem:s0], [sflag:$0x2] =	stream.indirect.gather [hbm4b:s4+s23], $0x40, s11, s23, $0xb8;
	[tilespmem:$0x11200] =	vst v63  }
0xe8: {  	_ = 	snop  }
0xe9: {  	[tilespmem:s31], [sflag:$0x2] =	stream.indirect.gather [hbm4b:s5+s23], $0x40, s22, s23, $0xb8;
	[tilespmem:$0x11200] =	vst v63  }
0xea: {  	s12 =	simm.s32 $0x580;
	s9 =	simm.s32 $0x6E20  }
0xeb: {  	[tilespmem:s17], [sflag:$0x2] =	stream.indirect.gather [hbm4b:s3+s23], $0x40, s12, s23, $0xb8;
	[tilespmem:$0x11200] =	vst v63  }
0xec: {  	s10 =	simm.s32 $0x4E20;
	v0 =	vld [tilespmem:s9+$0xFFFFFFE0]  }
0xed: {  	s11 =	simm.s32 $0xE20;
	v1 =	vld [tilespmem:s10+$0x0]  }
0xee: {  	v2 =	vld [tilespmem:s11+$0x10]  }
0xef: {  	v3 =	vld [tilespmem:s10+$0xFFFFFFE0]  }
0xf0: {  	s12 =	simm.s32 $0x2E20;
	v4 =	vld [tilespmem:s11+$0x0]  }
0xf1: {  	v5 =	vld [tilespmem:s12+$0xFFFFFFE0]  }
0xf2: {  	v6 =	vld [tilespmem:s11+$0xFFFFFFE0]  }
0xf3: {  	v7 =	vld [tilespmem:s11+$0xFFFFFFF0]  }
0xf4: {  	s8 =	simm.s32 $0x100;
	s2 =	simm.s32 $0x101;
	v8 =	vld [tilespmem:s12+$0xFFFFFFF0]  }
.LBB2_6:
0xf5: {  	p0 =	sne.s32 s2, $0x17F;
	v9 =	vld [tilespmem:s12+$0x0]  }
0xf6: {  	v10 =	vld [tilespmem:s10+$0xFFFFFFF0]  }
0xf7: {  	v11 =	vld [tilespmem:s12+$0x10]  }
0xf8: {  	v12 =	vld [tilespmem:s9+$0xFFFFFFF0]  }
0xf9: {  	v5 =	vadd.f32 v5, v6;
	v6 =	vadd.f32 v8, v7;
	v7 =	vld [tilespmem:s10+$0x10]  }
0xfa: {  	v4 =	vadd.f32 v9, v4;
	v8 =	vld [tilespmem:s9+$0x0]  }
0xfb: {  	v3 =	vadd.f32 v3, v5;
	v5 =	vadd.f32 v10, v6  }
0xfc: {  	v1 =	vadd.f32 v1, v4;
	v2 =	vadd.f32 v11, v2;
	v4 =	vld [tilespmem:s9+$0x10]  }
0xfd: {  	v0 =	vsub.f32 v3, v0;
	v3 =	vsub.f32 v5, v12  }
0xfe: {  	v2 =	vadd.f32 v7, v2  }
0xff: {  	v0 =	vand.u32 $0x7FFFFFFF, v0;
	v3 =	vand.u32 $0x7FFFFFFF, v3;
	v1 =	vsub.f32 v1, v8  }
0x100: {  	v0 =	vadd.f32 v3, v0  }
0x101: {  	v1 =	vand.u32 $0x7FFFFFFF, v1;
	v2 =	vsub.f32 v2, v4  }
0x102: {  	v0 =	vadd.f32 v1, v0  }
0x103: {  	v1 =	vand.u32 $0x7FFFFFFF, v2  }
0x104: {  	v0 =	vadd.f32 v1, v0;
	_ =	sdelay $0x1  }
0x105: {  	(xrf2) =	vadd.scan.msk.f32 $0xffff, v0;
	_ =	sdelay $0x5  }
0x106: {  	v0 =	vmov s8;
	s8 =	smov.u32 s2;
	_ =	sdelay $0x3  }
0x107: {  	v1, _, _ =	vpop (xrf2)  }
0x108: {  	s9 =	sadd.s32 $0x40, s9;
	[tilespmem:v0+s18+$0x0] =	vst.idx.msk vm0, v1  }
0x109: {  	s10 =	sadd.s32 $0x40, s10;
	v0 =	vld [tilespmem:s9+$0xFFFFFFE0]  }
0x10a: {  	s11 =	sadd.s32 $0x40, s11;
	v1 =	vld [tilespmem:s10+$0x0]  }
0x10b: {  	v2 =	vld [tilespmem:s11+$0x10]  }
0x10c: {  	v3 =	vld [tilespmem:s10+$0xFFFFFFE0]  }
.Ltmp2:
0x10d: {  	s12 =	sadd.s32 $0x40, s12;
	v4 =	vld [tilespmem:s11+$0x0];
	(pc) =	sbr.rel @p0 .LBB2_6-.Ltmp2, $4  }
0x10e: {  	v5 =	vld [tilespmem:s12+$0xFFFFFFE0]  }
0x10f: {  	v6 =	vld [tilespmem:s11+$0xFFFFFFE0]  }
0x110: {  	v7 =	vld [tilespmem:s11+$0xFFFFFFF0]  }
0x111: {  	s2 =	sadd.s32 $0x1, s2;
	v8 =	vld [tilespmem:s12+$0xFFFFFFF0]  }
0x112: {  	v9 =	vld [tilespmem:s12+$0x0]  }
0x113: {  	v10 =	vld [tilespmem:s10+$0xFFFFFFF0]  }
0x114: {  	v11 =	vld [tilespmem:s12+$0x10]  }
0x115: {  	v12 =	vld [tilespmem:s9+$0xFFFFFFF0];
	v5 =	vadd.f32 v5, v6  }
0x116: {  	v6 =	vadd.f32 v8, v7;
	v7 =	vld [tilespmem:s10+$0x10]  }
0x117: {  	v8 =	vld [tilespmem:s9+$0x0];
	v3 =	vadd.f32 v3, v5;
	v4 =	vadd.f32 v9, v4  }
0x118: {  	v5 =	vadd.f32 v10, v6  }
0x119: {  	v0 =	vsub.f32 v3, v0;
	v1 =	vadd.f32 v1, v4;
	v4 =	vld [tilespmem:s9+$0x10]  }
0x11a: {  	v2 =	vadd.f32 v11, v2;
	v3 =	vsub.f32 v5, v12  }
0x11b: {  	v0 =	vand.u32 $0x7FFFFFFF, v0  }
0x11c: {  	v2 =	vadd.f32 v7, v2;
	v1 =	vsub.f32 v1, v8;
	v3 =	vand.u32 $0x7FFFFFFF, v3  }
0x11d: {  	v0 =	vadd.f32 v3, v0  }
0x11e: {  	v1 =	vand.u32 $0x7FFFFFFF, v1;
	v2 =	vsub.f32 v2, v4  }
0x11f: {  	v0 =	vadd.f32 v1, v0  }
0x120: {  	v1 =	vand.u32 $0x7FFFFFFF, v2  }
0x121: {  	v0 =	vadd.f32 v1, v0;
	_ =	sdelay $0x1  }
0x122: {  	(xrf2) =	vadd.scan.msk.f32 $0xffff, v0;
	_ =	sdelay $0x5  }
0x123: {  	v0 =	vmov s8;
	_ =	sdelay $0x3  }
0x124: {  	v1, _, _ =	vpop (xrf2)  }
0x125: {  	[tilespmem:v0+s18+$0x0] =	vst.idx.msk vm0, v1  }
0x126: {  	_ =	swait.ge [sflag:s20], $0x2000  }
0x127: {  	[sflag:s20] =	ssyncset.done $0x0  }
0x128: {  	[sflag:s20] =	ssyncadd.s32 $0xFFFFE000  }
0x129: {  	_ =	swait.ge [sflag:s20], $0x2000  }
0x12a: {  	[sflag:s20] =	ssyncset.done $0x0  }
0x12b: {  	[sflag:s20] =	ssyncadd.s32 $0xFFFFE000  }
0x12c: {  	_ =	swait.ge [sflag:s20], $0x2000  }
0x12d: {  	[sflag:s20] =	ssyncset.done $0x0  }
0x12e: {  	[sflag:s20] =	ssyncadd.s32 $0xFFFFE000  }
0x12f: {  	_ =	swait.ge [sflag:s20], $0x2000  }
0x130: {  	[sflag:s20] =	ssyncset.done $0x0  }
0x131: {  	s2 =	simm.s32 $0x800;
	[sflag:s20] =	ssyncadd.s32 $0xFFFFE000  }
0x132: {  	[tilespmem:s24], [sflag:$0x1] =	stream.indirect.gather [hbm4b:s3+s23], $0x40, s2, s23, $0xb8;
	[tilespmem:$0x11200] =	vst v63  }
0x133: {  	s11 =	simm.s32 $0xA00  }
0x134: {  	[tilespmem:s25], [sflag:$0x1] =	stream.indirect.gather [hbm4b:s4+s23], $0x40, s11, s23, $0xb8;
	[tilespmem:$0x11200] =	vst v63  }
0x135: {  	_ = 	snop  }
0x136: {  	[tilespmem:s26], [sflag:$0x1] =	stream.indirect.gather [hbm4b:s5+s23], $0x40, s19, s23, $0xb8;
	[tilespmem:$0x11200] =	vst v63  }
0x137: {  	s12 =	simm.s32 $0xC00;
	s9 =	simm.s32 $0xEE20  }
0x138: {  	[tilespmem:s28], [sflag:$0x1] =	stream.indirect.gather [hbm4b:s3+s23], $0x40, s12, s23, $0xb8;
	[tilespmem:$0x11200] =	vst v63  }
0x139: {  	s10 =	simm.s32 $0xCE20;
	v0 =	vld [tilespmem:s9+$0xFFFFFFE0]  }
0x13a: {  	s11 =	simm.s32 $0x8E20;
	v1 =	vld [tilespmem:s10+$0x0]  }
0x13b: {  	v2 =	vld [tilespmem:s11+$0x10]  }
0x13c: {  	v3 =	vld [tilespmem:s10+$0xFFFFFFE0]  }
0x13d: {  	s12 =	simm.s32 $0xAE20;
	v4 =	vld [tilespmem:s11+$0x0]  }
0x13e: {  	v5 =	vld [tilespmem:s12+$0xFFFFFFE0]  }
0x13f: {  	v6 =	vld [tilespmem:s11+$0xFFFFFFE0]  }
0x140: {  	v7 =	vld [tilespmem:s11+$0xFFFFFFF0]  }
0x141: {  	s8 =	simm.s32 $0x180;
	s2 =	simm.s32 $0x181;
	v8 =	vld [tilespmem:s12+$0xFFFFFFF0]  }
.LBB2_8:
0x142: {  	p0 =	sne.s32 s2, $0x1FF;
	v9 =	vld [tilespmem:s12+$0x0]  }
0x143: {  	v10 =	vld [tilespmem:s10+$0xFFFFFFF0]  }
0x144: {  	v11 =	vld [tilespmem:s12+$0x10]  }
0x145: {  	v12 =	vld [tilespmem:s9+$0xFFFFFFF0]  }
0x146: {  	v5 =	vadd.f32 v5, v6;
	v6 =	vadd.f32 v8, v7;
	v7 =	vld [tilespmem:s10+$0x10]  }
0x147: {  	v4 =	vadd.f32 v9, v4;
	v8 =	vld [tilespmem:s9+$0x0]  }
0x148: {  	v3 =	vadd.f32 v3, v5;
	v5 =	vadd.f32 v10, v6  }
0x149: {  	v1 =	vadd.f32 v1, v4;
	v2 =	vadd.f32 v11, v2;
	v4 =	vld [tilespmem:s9+$0x10]  }
0x14a: {  	v0 =	vsub.f32 v3, v0;
	v3 =	vsub.f32 v5, v12  }
0x14b: {  	v2 =	vadd.f32 v7, v2  }
0x14c: {  	v0 =	vand.u32 $0x7FFFFFFF, v0;
	v3 =	vand.u32 $0x7FFFFFFF, v3;
	v1 =	vsub.f32 v1, v8  }
0x14d: {  	v0 =	vadd.f32 v3, v0  }
0x14e: {  	v1 =	vand.u32 $0x7FFFFFFF, v1;
	v2 =	vsub.f32 v2, v4  }
0x14f: {  	v0 =	vadd.f32 v1, v0  }
0x150: {  	v1 =	vand.u32 $0x7FFFFFFF, v2  }
0x151: {  	v0 =	vadd.f32 v1, v0;
	_ =	sdelay $0x1  }
0x152: {  	(xrf2) =	vadd.scan.msk.f32 $0xffff, v0;
	_ =	sdelay $0x5  }
0x153: {  	v0 =	vmov s8;
	s8 =	smov.u32 s2;
	_ =	sdelay $0x3  }
0x154: {  	v1, _, _ =	vpop (xrf2)  }
0x155: {  	s9 =	sadd.s32 $0x40, s9;
	[tilespmem:v0+s18+$0x0] =	vst.idx.msk vm0, v1  }
0x156: {  	s10 =	sadd.s32 $0x40, s10;
	v0 =	vld [tilespmem:s9+$0xFFFFFFE0]  }
0x157: {  	s11 =	sadd.s32 $0x40, s11;
	v1 =	vld [tilespmem:s10+$0x0]  }
0x158: {  	v2 =	vld [tilespmem:s11+$0x10]  }
0x159: {  	v3 =	vld [tilespmem:s10+$0xFFFFFFE0]  }
.Ltmp3:
0x15a: {  	s12 =	sadd.s32 $0x40, s12;
	v4 =	vld [tilespmem:s11+$0x0];
	(pc) =	sbr.rel @p0 .LBB2_8-.Ltmp3, $4  }
0x15b: {  	v5 =	vld [tilespmem:s12+$0xFFFFFFE0]  }
0x15c: {  	v6 =	vld [tilespmem:s11+$0xFFFFFFE0]  }
0x15d: {  	v7 =	vld [tilespmem:s11+$0xFFFFFFF0]  }
0x15e: {  	s2 =	sadd.s32 $0x1, s2;
	v8 =	vld [tilespmem:s12+$0xFFFFFFF0]  }
0x15f: {  	v9 =	vld [tilespmem:s12+$0x0]  }
0x160: {  	v10 =	vld [tilespmem:s10+$0xFFFFFFF0]  }
0x161: {  	v11 =	vld [tilespmem:s12+$0x10]  }
0x162: {  	v12 =	vld [tilespmem:s9+$0xFFFFFFF0];
	v5 =	vadd.f32 v5, v6  }
0x163: {  	v6 =	vadd.f32 v8, v7;
	v7 =	vld [tilespmem:s10+$0x10]  }
0x164: {  	v8 =	vld [tilespmem:s9+$0x0];
	v3 =	vadd.f32 v3, v5;
	v4 =	vadd.f32 v9, v4  }
0x165: {  	v5 =	vadd.f32 v10, v6  }
0x166: {  	v0 =	vsub.f32 v3, v0;
	v1 =	vadd.f32 v1, v4;
	v4 =	vld [tilespmem:s9+$0x10]  }
0x167: {  	v2 =	vadd.f32 v11, v2;
	v3 =	vsub.f32 v5, v12  }
0x168: {  	v0 =	vand.u32 $0x7FFFFFFF, v0  }
0x169: {  	v2 =	vadd.f32 v7, v2;
	v1 =	vsub.f32 v1, v8;
	v3 =	vand.u32 $0x7FFFFFFF, v3  }
0x16a: {  	v0 =	vadd.f32 v3, v0  }
0x16b: {  	v1 =	vand.u32 $0x7FFFFFFF, v1;
	v2 =	vsub.f32 v2, v4  }
0x16c: {  	v0 =	vadd.f32 v1, v0  }
0x16d: {  	v1 =	vand.u32 $0x7FFFFFFF, v2  }
0x16e: {  	v0 =	vadd.f32 v1, v0;
	_ =	sdelay $0x1  }
0x16f: {  	(xrf2) =	vadd.scan.msk.f32 $0xffff, v0;
	_ =	sdelay $0x5  }
0x170: {  	v0 =	vmov s8;
	_ =	sdelay $0x3  }
0x171: {  	v1, _, _ =	vpop (xrf2)  }
0x172: {  	[tilespmem:v0+s18+$0x0] =	vst.idx.msk vm0, v1  }
0x173: {  	_ =	swait.ge [sflag:s29], $0x2000  }
0x174: {  	[sflag:s29] =	ssyncset.done $0x0  }
0x175: {  	[sflag:s29] =	ssyncadd.s32 $0xFFFFE000  }
0x176: {  	_ =	swait.ge [sflag:s29], $0x2000  }
0x177: {  	[sflag:s29] =	ssyncset.done $0x0  }
0x178: {  	[sflag:s29] =	ssyncadd.s32 $0xFFFFE000  }
0x179: {  	_ =	swait.ge [sflag:s29], $0x2000  }
0x17a: {  	[sflag:s29] =	ssyncset.done $0x0  }
0x17b: {  	[sflag:s29] =	ssyncadd.s32 $0xFFFFE000  }
0x17c: {  	_ =	swait.ge [sflag:s29], $0x2000  }
0x17d: {  	[sflag:s29] =	ssyncset.done $0x0  }
0x17e: {  	s2 =	simm.s32 $0x880;
	[sflag:s29] =	ssyncadd.s32 $0xFFFFE000  }
0x17f: {  	[tilespmem:s30], [sflag:$0x2] =	stream.indirect.gather [hbm4b:s3+s23], $0x40, s2, s23, $0xb8;
	[tilespmem:$0x11200] =	vst v63  }
0x180: {  	s10 =	simm.s32 $0xA80  }
0x181: {  	[tilespmem:s0], [sflag:$0x2] =	stream.indirect.gather [hbm4b:s4+s23], $0x40, s10, s23, $0xb8;
	[tilespmem:$0x11200] =	vst v63  }
0x182: {  	s11 =	simm.s32 $0x680  }
0x183: {  	[tilespmem:s31], [sflag:$0x2] =	stream.indirect.gather [hbm4b:s5+s23], $0x40, s11, s23, $0xb8;
	[tilespmem:$0x11200] =	vst v63  }
0x184: {  	s12 =	simm.s32 $0xC80;
	s9 =	simm.s32 $0x6E20  }
0x185: {  	[tilespmem:s17], [sflag:$0x2] =	stream.indirect.gather [hbm4b:s3+s23], $0x40, s12, s23, $0xb8;
	[tilespmem:$0x11200] =	vst v63  }
0x186: {  	s10 =	simm.s32 $0x4E20;
	v0 =	vld [tilespmem:s9+$0xFFFFFFE0]  }
0x187: {  	s11 =	simm.s32 $0xE20;
	v1 =	vld [tilespmem:s10+$0x0]  }
0x188: {  	v2 =	vld [tilespmem:s11+$0x10]  }
0x189: {  	v3 =	vld [tilespmem:s10+$0xFFFFFFE0]  }
0x18a: {  	s12 =	simm.s32 $0x2E20;
	v4 =	vld [tilespmem:s11+$0x0]  }
0x18b: {  	v5 =	vld [tilespmem:s12+$0xFFFFFFE0]  }
0x18c: {  	v6 =	vld [tilespmem:s11+$0xFFFFFFE0]  }
0x18d: {  	v7 =	vld [tilespmem:s11+$0xFFFFFFF0]  }
0x18e: {  	s8 =	simm.s32 $0x0;
	s2 =	simm.s32 $0x1;
	v8 =	vld [tilespmem:s12+$0xFFFFFFF0]  }
.LBB2_10:
0x18f: {  	p0 =	sne.s32 s2, $0x7F;
	v9 =	vld [tilespmem:s12+$0x0]  }
0x190: {  	v10 =	vld [tilespmem:s10+$0xFFFFFFF0]  }
0x191: {  	v11 =	vld [tilespmem:s12+$0x10]  }
0x192: {  	v12 =	vld [tilespmem:s9+$0xFFFFFFF0]  }
0x193: {  	v5 =	vadd.f32 v5, v6;
	v6 =	vadd.f32 v8, v7;
	v7 =	vld [tilespmem:s10+$0x10]  }
0x194: {  	v4 =	vadd.f32 v9, v4;
	v8 =	vld [tilespmem:s9+$0x0]  }
0x195: {  	v3 =	vadd.f32 v3, v5;
	v5 =	vadd.f32 v10, v6  }
0x196: {  	v1 =	vadd.f32 v1, v4;
	v2 =	vadd.f32 v11, v2;
	v4 =	vld [tilespmem:s9+$0x10]  }
0x197: {  	v0 =	vsub.f32 v3, v0;
	v3 =	vsub.f32 v5, v12  }
0x198: {  	v2 =	vadd.f32 v7, v2  }
0x199: {  	v0 =	vand.u32 $0x7FFFFFFF, v0;
	v3 =	vand.u32 $0x7FFFFFFF, v3;
	v1 =	vsub.f32 v1, v8  }
0x19a: {  	v0 =	vadd.f32 v3, v0  }
0x19b: {  	v1 =	vand.u32 $0x7FFFFFFF, v1;
	v2 =	vsub.f32 v2, v4  }
0x19c: {  	v0 =	vadd.f32 v1, v0  }
0x19d: {  	v1 =	vand.u32 $0x7FFFFFFF, v2  }
0x19e: {  	v0 =	vadd.f32 v1, v0;
	_ =	sdelay $0x1  }
0x19f: {  	(xrf2) =	vadd.scan.msk.f32 $0xffff, v0;
	_ =	sdelay $0x5  }
0x1a0: {  	v0 =	vmov s8;
	s8 =	smov.u32 s2;
	_ =	sdelay $0x3  }
0x1a1: {  	v1, _, _ =	vpop (xrf2)  }
0x1a2: {  	s9 =	sadd.s32 $0x40, s9;
	[tilespmem:v0+s6+$0x0] =	vst.idx.msk vm0, v1  }
0x1a3: {  	s10 =	sadd.s32 $0x40, s10;
	v0 =	vld [tilespmem:s9+$0xFFFFFFE0]  }
0x1a4: {  	s11 =	sadd.s32 $0x40, s11;
	v1 =	vld [tilespmem:s10+$0x0]  }
0x1a5: {  	v2 =	vld [tilespmem:s11+$0x10]  }
0x1a6: {  	v3 =	vld [tilespmem:s10+$0xFFFFFFE0]  }
.Ltmp4:
0x1a7: {  	s12 =	sadd.s32 $0x40, s12;
	v4 =	vld [tilespmem:s11+$0x0];
	(pc) =	sbr.rel @p0 .LBB2_10-.Ltmp4, $4  }
0x1a8: {  	v5 =	vld [tilespmem:s12+$0xFFFFFFE0]  }
0x1a9: {  	v6 =	vld [tilespmem:s11+$0xFFFFFFE0]  }
0x1aa: {  	v7 =	vld [tilespmem:s11+$0xFFFFFFF0]  }
0x1ab: {  	s2 =	sadd.s32 $0x1, s2;
	v8 =	vld [tilespmem:s12+$0xFFFFFFF0]  }
0x1ac: {  	v9 =	vld [tilespmem:s12+$0x0]  }
0x1ad: {  	v10 =	vld [tilespmem:s10+$0xFFFFFFF0]  }
0x1ae: {  	v11 =	vld [tilespmem:s12+$0x10]  }
0x1af: {  	v12 =	vld [tilespmem:s9+$0xFFFFFFF0];
	v5 =	vadd.f32 v5, v6  }
0x1b0: {  	v6 =	vadd.f32 v8, v7;
	v7 =	vld [tilespmem:s10+$0x10]  }
0x1b1: {  	v8 =	vld [tilespmem:s9+$0x0];
	v3 =	vadd.f32 v3, v5;
	v4 =	vadd.f32 v9, v4  }
0x1b2: {  	v5 =	vadd.f32 v10, v6  }
0x1b3: {  	v0 =	vsub.f32 v3, v0;
	v1 =	vadd.f32 v1, v4;
	v4 =	vld [tilespmem:s9+$0x10]  }
0x1b4: {  	v2 =	vadd.f32 v11, v2;
	v3 =	vsub.f32 v5, v12  }
0x1b5: {  	v0 =	vand.u32 $0x7FFFFFFF, v0  }
0x1b6: {  	v2 =	vadd.f32 v7, v2;
	v1 =	vsub.f32 v1, v8;
	v3 =	vand.u32 $0x7FFFFFFF, v3  }
0x1b7: {  	v0 =	vadd.f32 v3, v0  }
0x1b8: {  	v1 =	vand.u32 $0x7FFFFFFF, v1;
	v2 =	vsub.f32 v2, v4  }
0x1b9: {  	v0 =	vadd.f32 v1, v0  }
0x1ba: {  	v1 =	vand.u32 $0x7FFFFFFF, v2  }
0x1bb: {  	v0 =	vadd.f32 v1, v0;
	_ =	sdelay $0x1  }
0x1bc: {  	(xrf2) =	vadd.scan.msk.f32 $0xffff, v0;
	_ =	sdelay $0x5  }
0x1bd: {  	v0 =	vmov s8;
	_ =	sdelay $0x3  }
0x1be: {  	v1, _, _ =	vpop (xrf2)  }
0x1bf: {  	[tilespmem:v0+s6+$0x0] =	vst.idx.msk vm0, v1  }
0x1c0: {  	_ =	swait.ge [sflag:s20], $0x2000  }
0x1c1: {  	[sflag:s20] =	ssyncset.done $0x0  }
0x1c2: {  	[sflag:s20] =	ssyncadd.s32 $0xFFFFE000  }
0x1c3: {  	_ =	swait.ge [sflag:s20], $0x2000  }
0x1c4: {  	[sflag:s20] =	ssyncset.done $0x0  }
0x1c5: {  	[sflag:s20] =	ssyncadd.s32 $0xFFFFE000  }
0x1c6: {  	_ =	swait.ge [sflag:s20], $0x2000  }
0x1c7: {  	[sflag:s20] =	ssyncset.done $0x0  }
0x1c8: {  	[sflag:s20] =	ssyncadd.s32 $0xFFFFE000  }
0x1c9: {  	_ =	swait.ge [sflag:s20], $0x2000  }
0x1ca: {  	[sflag:s20] =	ssyncset.done $0x0  }
0x1cb: {  	s2 =	simm.s32 $0x900;
	s8 =	simm.s32 $0x80;
	[sflag:s20] =	ssyncadd.s32 $0xFFFFE000  }
0x1cc: {  	[tilespmem:s24], [sflag:$0x1] =	stream.indirect.gather [hbm4b:s3+s8], $0x40, s2, s8, $0xb8;
	[tilespmem:$0x11200] =	vst v63  }
0x1cd: {  	s11 =	simm.s32 $0xB00  }
0x1ce: {  	[tilespmem:s25], [sflag:$0x1] =	stream.indirect.gather [hbm4b:s4+s8], $0x40, s11, s8, $0xb8;
	[tilespmem:$0x11200] =	vst v63  }
0x1cf: {  	_ = 	snop  }
0x1d0: {  	[tilespmem:s26], [sflag:$0x1] =	stream.indirect.gather [hbm4b:s5+s8], $0x40, s21, s8, $0xb8;
	[tilespmem:$0x11200] =	vst v63  }
0x1d1: {  	s12 =	simm.s32 $0xD00;
	s9 =	simm.s32 $0xEE20  }
0x1d2: {  	[tilespmem:s28], [sflag:$0x1] =	stream.indirect.gather [hbm4b:s3+s8], $0x40, s12, s8, $0xb8;
	[tilespmem:$0x11200] =	vst v63  }
0x1d3: {  	s10 =	simm.s32 $0xCE20;
	v0 =	vld [tilespmem:s9+$0xFFFFFFE0]  }
0x1d4: {  	s11 =	simm.s32 $0x8E20;
	v1 =	vld [tilespmem:s10+$0x0]  }
0x1d5: {  	v2 =	vld [tilespmem:s11+$0x10]  }
0x1d6: {  	v3 =	vld [tilespmem:s10+$0xFFFFFFE0]  }
0x1d7: {  	s12 =	simm.s32 $0xAE20;
	v4 =	vld [tilespmem:s11+$0x0]  }
0x1d8: {  	v5 =	vld [tilespmem:s12+$0xFFFFFFE0]  }
0x1d9: {  	v6 =	vld [tilespmem:s11+$0xFFFFFFE0]  }
0x1da: {  	v7 =	vld [tilespmem:s11+$0xFFFFFFF0]  }
0x1db: {  	s2 =	simm.s32 $0x81;
	v8 =	vld [tilespmem:s12+$0xFFFFFFF0]  }
.LBB2_12:
0x1dc: {  	p0 =	sne.s32 s2, $0xFF;
	v9 =	vld [tilespmem:s12+$0x0]  }
0x1dd: {  	v10 =	vld [tilespmem:s10+$0xFFFFFFF0]  }
0x1de: {  	v11 =	vld [tilespmem:s12+$0x10]  }
0x1df: {  	v12 =	vld [tilespmem:s9+$0xFFFFFFF0]  }
0x1e0: {  	v5 =	vadd.f32 v5, v6;
	v6 =	vadd.f32 v8, v7;
	v7 =	vld [tilespmem:s10+$0x10]  }
0x1e1: {  	v4 =	vadd.f32 v9, v4;
	v8 =	vld [tilespmem:s9+$0x0]  }
0x1e2: {  	v3 =	vadd.f32 v3, v5;
	v5 =	vadd.f32 v10, v6  }
0x1e3: {  	v1 =	vadd.f32 v1, v4;
	v2 =	vadd.f32 v11, v2;
	v4 =	vld [tilespmem:s9+$0x10]  }
0x1e4: {  	v0 =	vsub.f32 v3, v0;
	v3 =	vsub.f32 v5, v12  }
0x1e5: {  	v2 =	vadd.f32 v7, v2  }
0x1e6: {  	v0 =	vand.u32 $0x7FFFFFFF, v0;
	v3 =	vand.u32 $0x7FFFFFFF, v3;
	v1 =	vsub.f32 v1, v8  }
0x1e7: {  	v0 =	vadd.f32 v3, v0  }
0x1e8: {  	v1 =	vand.u32 $0x7FFFFFFF, v1;
	v2 =	vsub.f32 v2, v4  }
0x1e9: {  	v0 =	vadd.f32 v1, v0  }
0x1ea: {  	v1 =	vand.u32 $0x7FFFFFFF, v2  }
0x1eb: {  	v0 =	vadd.f32 v1, v0;
	_ =	sdelay $0x1  }
0x1ec: {  	(xrf2) =	vadd.scan.msk.f32 $0xffff, v0;
	_ =	sdelay $0x5  }
0x1ed: {  	v0 =	vmov s8;
	s8 =	smov.u32 s2;
	_ =	sdelay $0x3  }
0x1ee: {  	v1, _, _ =	vpop (xrf2)  }
0x1ef: {  	s9 =	sadd.s32 $0x40, s9;
	[tilespmem:v0+s6+$0x0] =	vst.idx.msk vm0, v1  }
0x1f0: {  	s10 =	sadd.s32 $0x40, s10;
	v0 =	vld [tilespmem:s9+$0xFFFFFFE0]  }
0x1f1: {  	s11 =	sadd.s32 $0x40, s11;
	v1 =	vld [tilespmem:s10+$0x0]  }
0x1f2: {  	v2 =	vld [tilespmem:s11+$0x10]  }
0x1f3: {  	v3 =	vld [tilespmem:s10+$0xFFFFFFE0]  }
.Ltmp5:
0x1f4: {  	s12 =	sadd.s32 $0x40, s12;
	v4 =	vld [tilespmem:s11+$0x0];
	(pc) =	sbr.rel @p0 .LBB2_12-.Ltmp5, $4  }
0x1f5: {  	v5 =	vld [tilespmem:s12+$0xFFFFFFE0]  }
0x1f6: {  	v6 =	vld [tilespmem:s11+$0xFFFFFFE0]  }
0x1f7: {  	v7 =	vld [tilespmem:s11+$0xFFFFFFF0]  }
0x1f8: {  	s2 =	sadd.s32 $0x1, s2;
	v8 =	vld [tilespmem:s12+$0xFFFFFFF0]  }
0x1f9: {  	v9 =	vld [tilespmem:s12+$0x0]  }
0x1fa: {  	v10 =	vld [tilespmem:s10+$0xFFFFFFF0]  }
0x1fb: {  	v11 =	vld [tilespmem:s12+$0x10]  }
0x1fc: {  	v12 =	vld [tilespmem:s9+$0xFFFFFFF0];
	v5 =	vadd.f32 v5, v6  }
0x1fd: {  	v6 =	vadd.f32 v8, v7;
	v7 =	vld [tilespmem:s10+$0x10]  }
0x1fe: {  	v8 =	vld [tilespmem:s9+$0x0];
	v3 =	vadd.f32 v3, v5;
	v4 =	vadd.f32 v9, v4  }
0x1ff: {  	v5 =	vadd.f32 v10, v6  }
0x200: {  	v0 =	vsub.f32 v3, v0;
	v1 =	vadd.f32 v1, v4;
	v4 =	vld [tilespmem:s9+$0x10]  }
0x201: {  	v2 =	vadd.f32 v11, v2;
	v3 =	vsub.f32 v5, v12  }
0x202: {  	v0 =	vand.u32 $0x7FFFFFFF, v0  }
0x203: {  	v2 =	vadd.f32 v7, v2;
	v1 =	vsub.f32 v1, v8;
	v3 =	vand.u32 $0x7FFFFFFF, v3  }
0x204: {  	v0 =	vadd.f32 v3, v0  }
0x205: {  	v1 =	vand.u32 $0x7FFFFFFF, v1;
	v2 =	vsub.f32 v2, v4  }
0x206: {  	v0 =	vadd.f32 v1, v0  }
0x207: {  	v1 =	vand.u32 $0x7FFFFFFF, v2  }
0x208: {  	v0 =	vadd.f32 v1, v0;
	_ =	sdelay $0x1  }
0x209: {  	(xrf2) =	vadd.scan.msk.f32 $0xffff, v0;
	_ =	sdelay $0x5  }
0x20a: {  	v0 =	vmov s8;
	_ =	sdelay $0x3  }
0x20b: {  	v1, _, _ =	vpop (xrf2)  }
0x20c: {  	[tilespmem:v0+s6+$0x0] =	vst.idx.msk vm0, v1  }
0x20d: {  	_ =	swait.ge [sflag:s29], $0x2000  }
0x20e: {  	[sflag:s29] =	ssyncset.done $0x0  }
0x20f: {  	[sflag:s29] =	ssyncadd.s32 $0xFFFFE000  }
0x210: {  	_ =	swait.ge [sflag:s29], $0x2000  }
0x211: {  	[sflag:s29] =	ssyncset.done $0x0  }
0x212: {  	[sflag:s29] =	ssyncadd.s32 $0xFFFFE000  }
0x213: {  	_ =	swait.ge [sflag:s29], $0x2000  }
0x214: {  	[sflag:s29] =	ssyncset.done $0x0  }
0x215: {  	[sflag:s29] =	ssyncadd.s32 $0xFFFFE000  }
0x216: {  	_ =	swait.ge [sflag:s29], $0x2000  }
0x217: {  	[sflag:s29] =	ssyncset.done $0x0  }
0x218: {  	s2 =	simm.s32 $0x980;
	[sflag:s29] =	ssyncadd.s32 $0xFFFFE000  }
0x219: {  	[tilespmem:s30], [sflag:$0x2] =	stream.indirect.gather [hbm4b:s3+s23], $0x40, s2, s23, $0xb8;
	[tilespmem:$0x11200] =	vst v63  }
0x21a: {  	s11 =	simm.s32 $0xB80  }
0x21b: {  	[tilespmem:s0], [sflag:$0x2] =	stream.indirect.gather [hbm4b:s4+s23], $0x40, s11, s23, $0xb8;
	[tilespmem:$0x11200] =	vst v63  }
0x21c: {  	_ = 	snop  }
0x21d: {  	[tilespmem:s31], [sflag:$0x2] =	stream.indirect.gather [hbm4b:s5+s23], $0x40, s22, s23, $0xb8;
	[tilespmem:$0x11200] =	vst v63  }
0x21e: {  	s12 =	simm.s32 $0xD80;
	s9 =	simm.s32 $0x6E20  }
0x21f: {  	[tilespmem:s17], [sflag:$0x2] =	stream.indirect.gather [hbm4b:s3+s23], $0x40, s12, s23, $0xb8;
	[tilespmem:$0x11200] =	vst v63  }
0x220: {  	s10 =	simm.s32 $0x4E20;
	v0 =	vld [tilespmem:s9+$0xFFFFFFE0]  }
0x221: {  	s11 =	simm.s32 $0xE20;
	v1 =	vld [tilespmem:s10+$0x0]  }
0x222: {  	v2 =	vld [tilespmem:s11+$0x10]  }
0x223: {  	v3 =	vld [tilespmem:s10+$0xFFFFFFE0]  }
0x224: {  	s12 =	simm.s32 $0x2E20;
	v4 =	vld [tilespmem:s11+$0x0]  }
0x225: {  	v5 =	vld [tilespmem:s12+$0xFFFFFFE0]  }
0x226: {  	v6 =	vld [tilespmem:s11+$0xFFFFFFE0]  }
0x227: {  	v7 =	vld [tilespmem:s11+$0xFFFFFFF0]  }
0x228: {  	s8 =	simm.s32 $0x100;
	s2 =	simm.s32 $0x101;
	v8 =	vld [tilespmem:s12+$0xFFFFFFF0]  }
.LBB2_14:
0x229: {  	p0 =	sne.s32 s2, $0x17F;
	v9 =	vld [tilespmem:s12+$0x0]  }
0x22a: {  	v10 =	vld [tilespmem:s10+$0xFFFFFFF0]  }
0x22b: {  	v11 =	vld [tilespmem:s12+$0x10]  }
0x22c: {  	v12 =	vld [tilespmem:s9+$0xFFFFFFF0]  }
0x22d: {  	v5 =	vadd.f32 v5, v6;
	v6 =	vadd.f32 v8, v7;
	v7 =	vld [tilespmem:s10+$0x10]  }
0x22e: {  	v4 =	vadd.f32 v9, v4;
	v8 =	vld [tilespmem:s9+$0x0]  }
0x22f: {  	v3 =	vadd.f32 v3, v5;
	v5 =	vadd.f32 v10, v6  }
0x230: {  	v1 =	vadd.f32 v1, v4;
	v2 =	vadd.f32 v11, v2;
	v4 =	vld [tilespmem:s9+$0x10]  }
0x231: {  	v0 =	vsub.f32 v3, v0;
	v3 =	vsub.f32 v5, v12  }
0x232: {  	v2 =	vadd.f32 v7, v2  }
0x233: {  	v0 =	vand.u32 $0x7FFFFFFF, v0;
	v3 =	vand.u32 $0x7FFFFFFF, v3;
	v1 =	vsub.f32 v1, v8  }
0x234: {  	v0 =	vadd.f32 v3, v0  }
0x235: {  	v1 =	vand.u32 $0x7FFFFFFF, v1;
	v2 =	vsub.f32 v2, v4  }
0x236: {  	v0 =	vadd.f32 v1, v0  }
0x237: {  	v1 =	vand.u32 $0x7FFFFFFF, v2  }
0x238: {  	v0 =	vadd.f32 v1, v0;
	_ =	sdelay $0x1  }
0x239: {  	(xrf2) =	vadd.scan.msk.f32 $0xffff, v0;
	_ =	sdelay $0x5  }
0x23a: {  	v0 =	vmov s8;
	s8 =	smov.u32 s2;
	_ =	sdelay $0x3  }
0x23b: {  	v1, _, _ =	vpop (xrf2)  }
0x23c: {  	s9 =	sadd.s32 $0x40, s9;
	[tilespmem:v0+s6+$0x0] =	vst.idx.msk vm0, v1  }
0x23d: {  	s10 =	sadd.s32 $0x40, s10;
	v0 =	vld [tilespmem:s9+$0xFFFFFFE0]  }
0x23e: {  	s11 =	sadd.s32 $0x40, s11;
	v1 =	vld [tilespmem:s10+$0x0]  }
0x23f: {  	v2 =	vld [tilespmem:s11+$0x10]  }
0x240: {  	v3 =	vld [tilespmem:s10+$0xFFFFFFE0]  }
.Ltmp6:
0x241: {  	s12 =	sadd.s32 $0x40, s12;
	v4 =	vld [tilespmem:s11+$0x0];
	(pc) =	sbr.rel @p0 .LBB2_14-.Ltmp6, $4  }
0x242: {  	v5 =	vld [tilespmem:s12+$0xFFFFFFE0]  }
0x243: {  	v6 =	vld [tilespmem:s11+$0xFFFFFFE0]  }
0x244: {  	v7 =	vld [tilespmem:s11+$0xFFFFFFF0]  }
0x245: {  	s2 =	sadd.s32 $0x1, s2;
	v8 =	vld [tilespmem:s12+$0xFFFFFFF0]  }
0x246: {  	v9 =	vld [tilespmem:s12+$0x0]  }
0x247: {  	v10 =	vld [tilespmem:s10+$0xFFFFFFF0]  }
0x248: {  	v11 =	vld [tilespmem:s12+$0x10]  }
0x249: {  	v12 =	vld [tilespmem:s9+$0xFFFFFFF0];
	v5 =	vadd.f32 v5, v6  }
0x24a: {  	v6 =	vadd.f32 v8, v7;
	v7 =	vld [tilespmem:s10+$0x10]  }
0x24b: {  	v8 =	vld [tilespmem:s9+$0x0];
	v3 =	vadd.f32 v3, v5;
	v4 =	vadd.f32 v9, v4  }
0x24c: {  	v5 =	vadd.f32 v10, v6  }
0x24d: {  	v0 =	vsub.f32 v3, v0;
	v1 =	vadd.f32 v1, v4;
	v4 =	vld [tilespmem:s9+$0x10]  }
0x24e: {  	v2 =	vadd.f32 v11, v2;
	v3 =	vsub.f32 v5, v12  }
0x24f: {  	v0 =	vand.u32 $0x7FFFFFFF, v0  }
0x250: {  	v2 =	vadd.f32 v7, v2;
	v1 =	vsub.f32 v1, v8;
	v3 =	vand.u32 $0x7FFFFFFF, v3  }
0x251: {  	v0 =	vadd.f32 v3, v0  }
0x252: {  	v1 =	vand.u32 $0x7FFFFFFF, v1;
	v2 =	vsub.f32 v2, v4  }
0x253: {  	v0 =	vadd.f32 v1, v0  }
0x254: {  	v1 =	vand.u32 $0x7FFFFFFF, v2  }
0x255: {  	v0 =	vadd.f32 v1, v0;
	_ =	sdelay $0x1  }
0x256: {  	(xrf2) =	vadd.scan.msk.f32 $0xffff, v0;
	_ =	sdelay $0x5  }
0x257: {  	v0 =	vmov s8;
	_ =	sdelay $0x3  }
0x258: {  	v1, _, _ =	vpop (xrf2)  }
0x259: {  	[tilespmem:v0+s6+$0x0] =	vst.idx.msk vm0, v1  }
0x25a: {  	_ =	swait.ge [sflag:s20], $0x2000  }
0x25b: {  	[sflag:s20] =	ssyncset.done $0x0  }
0x25c: {  	[sflag:s20] =	ssyncadd.s32 $0xFFFFE000  }
0x25d: {  	_ =	swait.ge [sflag:s20], $0x2000  }
0x25e: {  	[sflag:s20] =	ssyncset.done $0x0  }
0x25f: {  	[sflag:s20] =	ssyncadd.s32 $0xFFFFE000  }
0x260: {  	_ =	swait.ge [sflag:s20], $0x2000  }
0x261: {  	[sflag:s20] =	ssyncset.done $0x0  }
0x262: {  	[sflag:s20] =	ssyncadd.s32 $0xFFFFE000  }
0x263: {  	_ =	swait.ge [sflag:s20], $0x2000  }
0x264: {  	[sflag:s20] =	ssyncset.done $0x0  }
0x265: {  	s9 =	simm.s32 $0xEE20;
	[sflag:s20] =	ssyncadd.s32 $0xFFFFE000  }
0x266: {  	s10 =	simm.s32 $0xCE20;
	v0 =	vld [tilespmem:s9+$0xFFFFFFE0]  }
0x267: {  	s11 =	simm.s32 $0x8E20;
	v1 =	vld [tilespmem:s10+$0x0]  }
0x268: {  	v2 =	vld [tilespmem:s11+$0x10]  }
0x269: {  	v3 =	vld [tilespmem:s10+$0xFFFFFFE0]  }
0x26a: {  	s12 =	simm.s32 $0xAE20;
	v4 =	vld [tilespmem:s11+$0x0]  }
0x26b: {  	v5 =	vld [tilespmem:s12+$0xFFFFFFE0]  }
0x26c: {  	v6 =	vld [tilespmem:s11+$0xFFFFFFE0]  }
0x26d: {  	v7 =	vld [tilespmem:s11+$0xFFFFFFF0]  }
0x26e: {  	s2 =	simm.s32 $0x181;
	s8 =	simm.s32 $0x180;
	v8 =	vld [tilespmem:s12+$0xFFFFFFF0]  }
.LBB2_16:
0x26f: {  	p0 =	sne.s32 s2, $0x1FF;
	v9 =	vld [tilespmem:s12+$0x0]  }
0x270: {  	v10 =	vld [tilespmem:s10+$0xFFFFFFF0]  }
0x271: {  	v11 =	vld [tilespmem:s12+$0x10]  }
0x272: {  	v12 =	vld [tilespmem:s9+$0xFFFFFFF0]  }
0x273: {  	v5 =	vadd.f32 v5, v6;
	v6 =	vadd.f32 v8, v7;
	v7 =	vld [tilespmem:s10+$0x10]  }
0x274: {  	v4 =	vadd.f32 v9, v4;
	v8 =	vld [tilespmem:s9+$0x0]  }
0x275: {  	v3 =	vadd.f32 v3, v5;
	v5 =	vadd.f32 v10, v6  }
0x276: {  	v1 =	vadd.f32 v1, v4;
	v2 =	vadd.f32 v11, v2;
	v4 =	vld [tilespmem:s9+$0x10]  }
0x277: {  	v0 =	vsub.f32 v3, v0;
	v3 =	vsub.f32 v5, v12  }
0x278: {  	v2 =	vadd.f32 v7, v2  }
0x279: {  	v0 =	vand.u32 $0x7FFFFFFF, v0;
	v3 =	vand.u32 $0x7FFFFFFF, v3;
	v1 =	vsub.f32 v1, v8  }
0x27a: {  	v0 =	vadd.f32 v3, v0  }
0x27b: {  	v1 =	vand.u32 $0x7FFFFFFF, v1;
	v2 =	vsub.f32 v2, v4  }
0x27c: {  	v0 =	vadd.f32 v1, v0  }
0x27d: {  	v1 =	vand.u32 $0x7FFFFFFF, v2  }
0x27e: {  	v0 =	vadd.f32 v1, v0;
	_ =	sdelay $0x1  }
0x27f: {  	(xrf2) =	vadd.scan.msk.f32 $0xffff, v0;
	_ =	sdelay $0x5  }
0x280: {  	v0 =	vmov s8;
	s8 =	smov.u32 s2;
	_ =	sdelay $0x3  }
0x281: {  	v1, _, _ =	vpop (xrf2)  }
0x282: {  	s9 =	sadd.s32 $0x40, s9;
	[tilespmem:v0+s6+$0x0] =	vst.idx.msk vm0, v1  }
0x283: {  	s10 =	sadd.s32 $0x40, s10;
	v0 =	vld [tilespmem:s9+$0xFFFFFFE0]  }
0x284: {  	s11 =	sadd.s32 $0x40, s11;
	v1 =	vld [tilespmem:s10+$0x0]  }
0x285: {  	v2 =	vld [tilespmem:s11+$0x10]  }
0x286: {  	v3 =	vld [tilespmem:s10+$0xFFFFFFE0]  }
.Ltmp7:
0x287: {  	s12 =	sadd.s32 $0x40, s12;
	v4 =	vld [tilespmem:s11+$0x0];
	(pc) =	sbr.rel @p0 .LBB2_16-.Ltmp7, $4  }
0x288: {  	v5 =	vld [tilespmem:s12+$0xFFFFFFE0]  }
0x289: {  	v6 =	vld [tilespmem:s11+$0xFFFFFFE0]  }
0x28a: {  	v7 =	vld [tilespmem:s11+$0xFFFFFFF0]  }
0x28b: {  	s2 =	sadd.s32 $0x1, s2;
	v8 =	vld [tilespmem:s12+$0xFFFFFFF0]  }
0x28c: {  	v9 =	vld [tilespmem:s12+$0x0]  }
0x28d: {  	v10 =	vld [tilespmem:s10+$0xFFFFFFF0]  }
0x28e: {  	v11 =	vld [tilespmem:s12+$0x10]  }
0x28f: {  	v12 =	vld [tilespmem:s9+$0xFFFFFFF0];
	v5 =	vadd.f32 v5, v6  }
0x290: {  	v56 =	vld [tilespmem:s10+$0x10];
	v55 =	vadd.f32 v8, v7  }
0x291: {  	v57 =	vld [tilespmem:s9+$0x0];
	v3 =	vadd.f32 v3, v5  }
0x292: {  	v4 =	vadd.f32 v9, v4;
	v58 =	vadd.f32 v10, v55  }
0x293: {  	v59 =	vld [tilespmem:s9+$0x10];
	v2 =	vadd.f32 v11, v2;
	v0 =	vsub.f32 v3, v0  }
0x294: {  	v1 =	vadd.f32 v1, v4;
	v60 =	vsub.f32 v58, v12  }
0x295: {  	v2 =	vadd.f32 v56, v2  }
0x296: {  	v0 =	vand.u32 $0x7FFFFFFF, v0;
	v1 =	vsub.f32 v1, v57;
	v3 =	vand.u32 $0x7FFFFFFF, v60  }
0x297: {  	v0 =	vadd.f32 v3, v0  }
0x298: {  	v2 =	vsub.f32 v2, v59;
	v1 =	vand.u32 $0x7FFFFFFF, v1  }
0x299: {  	v0 =	vadd.f32 v1, v0  }
0x29a: {  	v61 =	vand.u32 $0x7FFFFFFF, v2  }
0x29b: {  	v0 =	vadd.f32 v61, v0;
	_ =	sdelay $0x1  }
0x29c: {  	(xrf2) =	vadd.scan.msk.f32 $0xffff, v0;
	_ =	sdelay $0x5  }
0x29d: {  	v62 =	vmov s8;
	_ =	sdelay $0x3  }
0x29e: {  	v63, _, _ =	vpop (xrf2)  }
0x29f: {  	[tilespmem:v62+s6+$0x0] =	vst.idx.msk vm0, v63  }
0x2a0: {  	[hbm4b:s13+s1] =	stream.linear.scatter [tilespmem:s18], [sflag:$0x3], $0x200, $0x38;
	[tilespmem:$0x11200] =	vst v63  }
0x2a1: {  	s7 =	sadd.s32 $0x1, s7;
	_ =	swait.ge [sflag:s16], $0x200  }
0x2a2: {  	p0 =	sne.s32 s7, s15;
	[sflag:s16] =	ssyncset.done $0x0  }
.Ltmp8:
0x2a3: {  	[sflag:s16] =	ssyncadd.s32 $0xFFFFFE00;
	(pc) =	sbr.rel @p0 .LBB2_1-.Ltmp8, $4  }
0x2a4: {  	[hbm4b:s14+s1] =	stream.linear.scatter [tilespmem:s6], [sflag:$0x3], $0x200, $0x38;
	[tilespmem:$0x11200] =	vst v63  }
0x2a5: {  	_ =	swait.ge [sflag:s16], $0x200  }
0x2a6: {  	[sflag:s16] =	ssyncset.done $0x0  }
0x2a7: {  	[sflag:s16] =	ssyncadd.s32 $0xFFFFFE00  }
0x2a8: {  	_ =	sfence.sel $0x180000  }
0x2a9: {  	[bflag:$0x0] =	sbarrier.arrive $0xFFFF  }
0x2aa: {  	_ =	strace $0x90000047  }
0x2ab: {  	s0 =	stileid.u32;
	[bflag:$0x2] =	sbarrier.arrive $0xFFFF  }
0x2ac: {  	p0 =	sne.s32 s0, $0x0;
	s0 =	rddreg [dreg:$0xa]  }
0x2ad: {  	s0 =	sadd.s32 @!p0 $0x100000, s0  }
0x2ae: {  	[sflag:s0] =	ssyncadd.tile.s32 @!p0 $0x1;
	_ =	shalt  }
.Lfunc_end2:
_tile_overlayer_lowered:
.L_overlay_start_2:
0x2af: {  	(tag) =	ssettag $0x2  }
0x2b0: {  	s0 =	rddreg [dreg:$0x0];
	s2 =	stileid.u32  }
0x2b1: {  	s1 =	rddreg [dreg:$0x1];
	p0 =	sne.s32 s2, $0x0  }
0x2b2: {  	s3 =	rddreg [dreg:$0x2];
	[bflag:$0x3] =	sbarrier.arrive $0xFFFF;
	s2 =	simm.s32 @!p0 $0x1C03  }
0x2b3: {  	[timem:s3], [sflag:s2] =	dma.local @!p0 [hbm:s0], s1  }
0x2b4: {  	s0 =	simm.s32 @!p0 $0x3  }
0x2b5: {  	_ =	swait.ge @!p0 [sflag:s0], s1  }
0x2b6: {  	s1 =	ssub.s32 @!p0 $0x0, s1;
	[sflag:s0] =	ssyncset.done @!p0 $0x0  }
0x2b7: {  	[sflag:s0] =	ssyncadd.s32 @!p0 s1  }
0x2b8: {  	[bflag:$0x3] =	sbarrier.arrive $0xFFFF  }
0x2b9: {  	_ =	shalt  }

</sc_bundles>
